<compile_context>
chip_gen: v7x
topology: tpu7x:2x2x1
jax: 0.10.2.dev20260603
libtpu: 0.0.44.dev20260713+nightly
codegen_flags: <defaults>
</compile_context>

<pallas_src>
import functools

import jax
import jax.numpy as jnp
from jax import lax
from jax.experimental import pallas as pl
from jax.experimental.pallas import tpu as pltpu
from jax.experimental.pallas import tpu_sc as plsc

D = 128
S = 512
TBL = 2 * S - 1

NC = 2
NIG = 8
NJG = 4
BI = S // NIG
BJ = S // NJG
WINP = 192
NLANE = 16


@functools.partial(
    pl.kernel,
    out_type=jax.ShapeDtypeStruct((S, NJG, BJ, D), jnp.float32),
    mesh=plsc.VectorSubcoreMesh(core_axis_name="c", subcore_axis_name="s"),
    scratch_types=[
        pltpu.VMEM((128,), jnp.int32),
        pltpu.VMEM((64,), jnp.int32),
        pltpu.VMEM((WINP, D), jnp.float32),
        pltpu.VMEM((BJ, D), jnp.float32),
        pltpu.VMEM((2, BJ, D), jnp.float32),
        pltpu.VMEM((2, BJ, D), jnp.float32),
        pltpu.SemaphoreType.DMA,
        pltpu.SemaphoreType.DMA,
    ],
)
def _sc_rel_pos_add(x_hbm, emb_hbm, out_hbm, idxa_v, idxb_v, winf_v, x_v,
                    resa_v, resb_v, sema, semb):
    c = lax.axis_index("c")
    s = lax.axis_index("s")
    wid = s * NC + c
    ig = wid // NJG
    jg = lax.rem(wid, NJG)
    i0 = ig * BI
    j0 = jg * BJ
    top = i0 - j0 + (S - 1) + (BI - 1)

    xcopy = pltpu.make_async_copy(x_hbm.at[pl.ds(j0, BJ)], x_v, sema)
    xcopy.start()

    iota = lax.iota(jnp.int32, NLANE)
    for k in range(128 // NLANE):
        t0 = k * NLANE
        idxa_v[pl.ds(t0, NLANE)] = jnp.clip(top - t0 - iota, 0, TBL - 1)
    for k in range(64 // NLANE):
        t0 = 128 + k * NLANE
        idxb_v[pl.ds(k * NLANE, NLANE)] = jnp.clip(top - t0 - iota, 0, TBL - 1)

    ga = pltpu.make_async_copy(emb_hbm.at[idxa_v], winf_v.at[pl.ds(0, 128)],
                               semb)
    ga.start()
    gb = pltpu.make_async_copy(emb_hbm.at[idxb_v], winf_v.at[pl.ds(128, 64)],
                               sema)
    gb.start()
    xcopy.wait()
    ga.wait()
    gb.wait()

    def half(q, res_v, sem, dibase):
        @pl.when(q > 0)
        def _wait_prev():
            pltpu.make_async_copy(
                res_v, out_hbm.at[pl.ds(i0 + dibase, 2), jg], sem).wait()

        base = (BI - 1) - dibase
        init = tuple(
            winf_v[base - 1, pl.ds(v * NLANE, NLANE)]
            for v in range(D // NLANE)
        )

        @plsc.parallel_loop(0, BJ, step=2, unroll=2, carry=init)
        def _dj(dj, prev):
            w0 = base + dj
            cur = tuple(
                winf_v[w0, pl.ds(v * NLANE, NLANE)]
                for v in range(D // NLANE)
            )
            nxt = tuple(
                winf_v[w0 + 1, pl.ds(v * NLANE, NLANE)]
                for v in range(D // NLANE)
            )
            for v in range(D // NLANE):
                sl = pl.ds(v * NLANE, NLANE)
                xv = x_v[dj, sl]
                res_v[0, dj, sl] = xv + cur[v]
                res_v[1, dj, sl] = xv + prev[v]
                xw = x_v[dj + 1, sl]
                res_v[0, dj + 1, sl] = xw + nxt[v]
                res_v[1, dj + 1, sl] = xw + cur[v]
            return nxt

        pltpu.make_async_copy(
            res_v, out_hbm.at[pl.ds(i0 + dibase, 2), jg], sem).start()

    def q_body(q, carry):
        di0 = 4 * q
        half(q, resa_v, sema, di0)
        half(q, resb_v, semb, di0 + 2)
        return carry

    lax.fori_loop(0, BI // 4, q_body, 0)
    pltpu.make_async_copy(resa_v, out_hbm.at[pl.ds(i0, 2), jg], sema).wait()
    pltpu.make_async_copy(resb_v, out_hbm.at[pl.ds(i0, 2), jg], semb).wait()


def kernel(x, rel_pos_emb):
    xs = x[0]
    out = _sc_rel_pos_add(xs, rel_pos_emb)
    return out.reshape(1, S, S, D)

# --- scband reference (transcript-rebuilt; emitter-appended) ---
"""Pipeline reference for scband-relative-positional-encoding-54348516164211 (READ-ONLY COPY).

The authoritative reference and input builder live on the scoring server;
editing this copy changes nothing except your own understanding.
"""

import jax, jax.numpy as jnp
import numpy as np

EMBED_DIM = 128
MAX_LEN = 512
BATCH = 1
SEQ_LEN = 512


def setup_inputs(seed: int = 0) -> dict:
    key = jax.random.key(seed)
    k1, k2 = jax.random.split(key)
    x = jax.random.normal(k1, (BATCH, SEQ_LEN, EMBED_DIM), dtype=jnp.float32)
    # learned embedding table: nn.Embedding(2*max_len - 1, embed_dim)
    rel_pos_emb = jax.random.normal(k2, (2 * MAX_LEN - 1, EMBED_DIM), dtype=jnp.float32) * 0.02
    return {"x": x, "rel_pos_emb": rel_pos_emb}


def reference(x, rel_pos_emb):
    batch_size, seq_len, _ = x.shape
    # buffer: rel_coords[i, j] = i - j + (max_len - 1)
    coords = jnp.arange(MAX_LEN)
    rel_coords = coords[:, None] - coords[None, :] + (MAX_LEN - 1)
    # embedding lookup -> [seq_len, seq_len, embed_dim]
    rel_pos = jnp.take(rel_pos_emb, rel_coords[:seq_len, :seq_len], axis=0)
    # x + rel_pos.unsqueeze(0): with batch_size == 1 this broadcasts
    # [1, S, D] + [1, S, S, D] -> [1, S, S, D], matching torch semantics
    out = x + rel_pos[None, :, :, :]
    return out

if __name__ == "__main__":
    import jax
    _d = setup_inputs()
    print(jax.jit(kernel)(*tuple(_d.values())))

</pallas_src>

<mosaic_0001>
#map = affine_map<(d0, d1) -> (0, 0)>
#map1 = affine_map<(d0, d1) -> (0, 0, 0, 0)>
module attributes {stable_mosaic.version = 14 : i64} {
  func.func @_sc_rel_pos_add(%arg0: i32, %arg1: i32, %arg2: memref<512x128xf32, #tpu.memory_space<hbm>>, %arg3: memref<1023x128xf32, #tpu.memory_space<hbm>>, %arg4: memref<512x4x128x128xf32, #tpu.memory_space<hbm>>, %arg5: memref<128xi32, #tpu.memory_space<vmem>>, %arg6: memref<64xi32, #tpu.memory_space<vmem>>, %arg7: memref<192x128xf32, #tpu.memory_space<vmem>>, %arg8: memref<128x128xf32, #tpu.memory_space<vmem>>, %arg9: memref<2x128x128xf32, #tpu.memory_space<vmem>>, %arg10: memref<2x128x128xf32, #tpu.memory_space<vmem>>, %arg11: memref<!tpu.dma_semaphore, #tpu.memory_space<semaphore_mem>>, %arg12: memref<!tpu.dma_semaphore, #tpu.memory_space<semaphore_mem>>) attributes {dimension_semantics = [#tpu.dimension_semantics<core_parallel>, #tpu.dimension_semantics<subcore_parallel>], iteration_bounds = array<i64: 2, 16>, scalar_prefetch = 0 : i64, scratch_operands = 8 : i64, tpu.core_type = #tpu.core_type<sc_vector_subcore>, window_params = [{transform_indices = #map}, {transform_indices = #map}, {transform_indices = #map1}]} {
    %mul3A = arith.constant 2 : i32
    %mul3A_0 = arith.muli %arg1, %mul3A : i32
    %add3A = arith.addi %mul3A_0, %arg0 : i32
    %jit3A = arith.constant 4 : i32
    %div3A = arith.divsi %add3A, %jit3A : i32
    %sign3A = arith.constant 0 : i32
    %sign3A_1 = arith.cmpi sgt, %add3A, %sign3A : i32
    %sign3A_2 = arith.extui %sign3A_1 : i1 to i32
    %sign3A_3 = arith.constant 0 : i32
    %sign3A_4 = arith.cmpi slt, %add3A, %sign3A_3 : i32
    %sign3A_5 = arith.extui %sign3A_4 : i1 to i32
    %sign3A_6 = arith.subi %sign3A_2, %sign3A_5 : i32
    %sign3A_7 = arith.constant 0 : i32
    %sign3A_8 = arith.cmpi sgt, %jit3A, %sign3A_7 : i32
    %sign3A_9 = arith.extui %sign3A_8 : i1 to i32
    %sign3A_10 = arith.constant 0 : i32
    %sign3A_11 = arith.cmpi slt, %jit3A, %sign3A_10 : i32
    %sign3A_12 = arith.extui %sign3A_11 : i1 to i32
    %sign3A_13 = arith.subi %sign3A_9, %sign3A_12 : i32
    %ne3A = arith.cmpi ne, %sign3A_6, %sign3A_13 : i32
    %rem3A = arith.remsi %add3A, %jit3A : i32
    %ne3A_14 = arith.constant 0 : i32
    %ne3A_15 = arith.cmpi ne, %rem3A, %ne3A_14 : i32
    %and3A = arith.andi %ne3A, %ne3A_15 : i1
    %sub3A = arith.constant 1 : i32
    %sub3A_16 = arith.subi %div3A, %sub3A : i32
    %select_n3A = arith.select %and3A, %sub3A_16, %div3A : i32
    %rem3A_17 = arith.constant 4 : i32
    %rem3A_18 = arith.remsi %add3A, %rem3A_17 : i32
    %mul3A_19 = arith.constant 64 : i32
    %mul3A_20 = arith.muli %select_n3A, %mul3A_19 : i32
    %mul3A_21 = arith.constant 128 : i32
    %mul3A_22 = arith.muli %rem3A_18, %mul3A_21 : i32
    %sub3A_23 = arith.subi %mul3A_20, %mul3A_22 : i32
    %add3A_24 = arith.constant 511 : i32
    %add3A_25 = arith.addi %sub3A_23, %add3A_24 : i32
    %add3A_26 = arith.constant 63 : i32
    %add3A_27 = arith.addi %add3A_25, %add3A_26 : i32
    %dma_start3A = arith.constant 0 : i32
    %dma_start3A_28 = tpu.memref_slice %arg2[%mul3A_22, %dma_start3A] : memref<512x128xf32, #tpu.memory_space<hbm>> -> memref<128x128xf32, #tpu.memory_space<hbm>>
    %dma_start3A_29 = arith.constant 0 : i32
    %dma_start3A_30 = tpu.memref_slice %arg2[%mul3A_22, %dma_start3A_29] : memref<512x128xf32, #tpu.memory_space<hbm>> -> memref<128x128xf32, #tpu.memory_space<hbm>>
    tpu.enqueue_dma source(%dma_start3A_30 : memref<128x128xf32, #tpu.memory_space<hbm>>) target(%arg8 : memref<128x128xf32, #tpu.memory_space<vmem>>) target_semaphore(%arg11 : memref<!tpu.dma_semaphore, #tpu.memory_space<semaphore_mem>>)
    %iota3A = tpu.iota {dimensions = array<i32: 0>} : vector<16xi32>
    %sub3A_31 = arith.constant 0 : i32
    %sub3A_32 = arith.subi %add3A_27, %sub3A_31 : i32
    %sub3A_33 = vector.broadcast %sub3A_32 : i32 to vector<16xi32>
    %sub3A_34 = arith.subi %sub3A_33, %iota3A : vector<16xi32>
    %jit3A_35 = arith.constant 0 : i32
    %jit3A_36 = arith.constant 1022 : i32
    %max3A = vector.broadcast %jit3A_35 : i32 to vector<16xi32>
    %max3A_37 = arith.maxsi %max3A, %sub3A_34 : vector<16xi32>
    %min3A = vector.broadcast %jit3A_36 : i32 to vector<16xi32>
    %min3A_38 = arith.minsi %min3A, %max3A_37 : vector<16xi32>
    %swap3A = arith.constant 0 : index
    %swap3A_39 = tpu.vector_load %arg5[%swap3A] {strides = array<i32>} : memref<128xi32, #tpu.memory_space<vmem>>, vector<16xi32>,
    %swap3A_40 = vector.shape_cast %swap3A_39 : vector<16xi32> to vector<16xi32>
    %swap3A_41 = vector.shape_cast %min3A_38 : vector<16xi32> to vector<16xi32>
    tpu.vector_store %arg5[%swap3A], %swap3A_41 {strides = array<i32>} : memref<128xi32, #tpu.memory_space<vmem>>, vector<16xi32>,
    %sub3A_42 = arith.constant 16 : i32
    %sub3A_43 = arith.subi %add3A_27, %sub3A_42 : i32
    %sub3A_44 = vector.broadcast %sub3A_43 : i32 to vector<16xi32>
    %sub3A_45 = arith.subi %sub3A_44, %iota3A : vector<16xi32>
    %jit3A_46 = arith.constant 0 : i32
    %jit3A_47 = arith.constant 1022 : i32
    %max3A_48 = vector.broadcast %jit3A_46 : i32 to vector<16xi32>
    %max3A_49 = arith.maxsi %max3A_48, %sub3A_45 : vector<16xi32>
    %min3A_50 = vector.broadcast %jit3A_47 : i32 to vector<16xi32>
    %min3A_51 = arith.minsi %min3A_50, %max3A_49 : vector<16xi32>
    %swap3A_52 = arith.constant 16 : index
    %swap3A_53 = tpu.vector_load %arg5[%swap3A_52] {strides = array<i32>} : memref<128xi32, #tpu.memory_space<vmem>>, vector<16xi32>,
    %swap3A_54 = vector.shape_cast %swap3A_53 : vector<16xi32> to vector<16xi32>
    %swap3A_55 = vector.shape_cast %min3A_51 : vector<16xi32> to vector<16xi32>
    tpu.vector_store %arg5[%swap3A_52], %swap3A_55 {strides = array<i32>} : memref<128xi32, #tpu.memory_space<vmem>>, vector<16xi32>,
    %sub3A_56 = arith.constant 32 : i32
    %sub3A_57 = arith.subi %add3A_27, %sub3A_56 : i32
    %sub3A_58 = vector.broadcast %sub3A_57 : i32 to vector<16xi32>
    %sub3A_59 = arith.subi %sub3A_58, %iota3A : vector<16xi32>
    %jit3A_60 = arith.constant 0 : i32
    %jit3A_61 = arith.constant 1022 : i32
    %max3A_62 = vector.broadcast %jit3A_60 : i32 to vector<16xi32>
    %max3A_63 = arith.maxsi %max3A_62, %sub3A_59 : vector<16xi32>
    %min3A_64 = vector.broadcast %jit3A_61 : i32 to vector<16xi32>
    %min3A_65 = arith.minsi %min3A_64, %max3A_63 : vector<16xi32>
    %swap3A_66 = arith.constant 32 : index
    %swap3A_67 = tpu.vector_load %arg5[%swap3A_66] {strides = array<i32>} : memref<128xi32, #tpu.memory_space<vmem>>, vector<16xi32>,
    %swap3A_68 = vector.shape_cast %swap3A_67 : vector<16xi32> to vector<16xi32>
    %swap3A_69 = vector.shape_cast %min3A_65 : vector<16xi32> to vector<16xi32>
    tpu.vector_store %arg5[%swap3A_66], %swap3A_69 {strides = array<i32>} : memref<128xi32, #tpu.memory_space<vmem>>, vector<16xi32>,
    %sub3A_70 = arith.constant 48 : i32
    %sub3A_71 = arith.subi %add3A_27, %sub3A_70 : i32
    %sub3A_72 = vector.broadcast %sub3A_71 : i32 to vector<16xi32>
    %sub3A_73 = arith.subi %sub3A_72, %iota3A : vector<16xi32>
    %jit3A_74 = arith.constant 0 : i32
    %jit3A_75 = arith.constant 1022 : i32
    %max3A_76 = vector.broadcast %jit3A_74 : i32 to vector<16xi32>
    %max3A_77 = arith.maxsi %max3A_76, %sub3A_73 : vector<16xi32>
    %min3A_78 = vector.broadcast %jit3A_75 : i32 to vector<16xi32>
    %min3A_79 = arith.minsi %min3A_78, %max3A_77 : vector<16xi32>
    %swap3A_80 = arith.constant 48 : index
    %swap3A_81 = tpu.vector_load %arg5[%swap3A_80] {strides = array<i32>} : memref<128xi32, #tpu.memory_space<vmem>>, vector<16xi32>,
    %swap3A_82 = vector.shape_cast %swap3A_81 : vector<16xi32> to vector<16xi32>
    %swap3A_83 = vector.shape_cast %min3A_79 : vector<16xi32> to vector<16xi32>
    tpu.vector_store %arg5[%swap3A_80], %swap3A_83 {strides = array<i32>} : memref<128xi32, #tpu.memory_space<vmem>>, vector<16xi32>,
    %sub3A_84 = arith.constant 64 : i32
    %sub3A_85 = arith.subi %add3A_27, %sub3A_84 : i32
    %sub3A_86 = vector.broadcast %sub3A_85 : i32 to vector<16xi32>
    %sub3A_87 = arith.subi %sub3A_86, %iota3A : vector<16xi32>
    %jit3A_88 = arith.constant 0 : i32
    %jit3A_89 = arith.constant 1022 : i32
    %max3A_90 = vector.broadcast %jit3A_88 : i32 to vector<16xi32>
    %max3A_91 = arith.maxsi %max3A_90, %sub3A_87 : vector<16xi32>
    %min3A_92 = vector.broadcast %jit3A_89 : i32 to vector<16xi32>
    %min3A_93 = arith.minsi %min3A_92, %max3A_91 : vector<16xi32>
    %swap3A_94 = arith.constant 64 : index
    %swap3A_95 = tpu.vector_load %arg5[%swap3A_94] {strides = array<i32>} : memref<128xi32, #tpu.memory_space<vmem>>, vector<16xi32>,
    %swap3A_96 = vector.shape_cast %swap3A_95 : vector<16xi32> to vector<16xi32>
    %swap3A_97 = vector.shape_cast %min3A_93 : vector<16xi32> to vector<16xi32>
    tpu.vector_store %arg5[%swap3A_94], %swap3A_97 {strides = array<i32>} : memref<128xi32, #tpu.memory_space<vmem>>, vector<16xi32>,
    %sub3A_98 = arith.constant 80 : i32
    %sub3A_99 = arith.subi %add3A_27, %sub3A_98 : i32
    %sub3A_100 = vector.broadcast %sub3A_99 : i32 to vector<16xi32>
    %sub3A_101 = arith.subi %sub3A_100, %iota3A : vector<16xi32>
    %jit3A_102 = arith.constant 0 : i32
    %jit3A_103 = arith.constant 1022 : i32
    %max3A_104 = vector.broadcast %jit3A_102 : i32 to vector<16xi32>
    %max3A_105 = arith.maxsi %max3A_104, %sub3A_101 : vector<16xi32>
    %min3A_106 = vector.broadcast %jit3A_103 : i32 to vector<16xi32>
    %min3A_107 = arith.minsi %min3A_106, %max3A_105 : vector<16xi32>
    %swap3A_108 = arith.constant 80 : index
    %swap3A_109 = tpu.vector_load %arg5[%swap3A_108] {strides = array<i32>} : memref<128xi32, #tpu.memory_space<vmem>>, vector<16xi32>,
    %swap3A_110 = vector.shape_cast %swap3A_109 : vector<16xi32> to vector<16xi32>
    %swap3A_111 = vector.shape_cast %min3A_107 : vector<16xi32> to vector<16xi32>
    tpu.vector_store %arg5[%swap3A_108], %swap3A_111 {strides = array<i32>} : memref<128xi32, #tpu.memory_space<vmem>>, vector<16xi32>,
    %sub3A_112 = arith.constant 96 : i32
    %sub3A_113 = arith.subi %add3A_27, %sub3A_112 : i32
    %sub3A_114 = vector.broadcast %sub3A_113 : i32 to vector<16xi32>
    %sub3A_115 = arith.subi %sub3A_114, %iota3A : vector<16xi32>
    %jit3A_116 = arith.constant 0 : i32
    %jit3A_117 = arith.constant 1022 : i32
    %max3A_118 = vector.broadcast %jit3A_116 : i32 to vector<16xi32>
    %max3A_119 = arith.maxsi %max3A_118, %sub3A_115 : vector<16xi32>
    %min3A_120 = vector.broadcast %jit3A_117 : i32 to vector<16xi32>
    %min3A_121 = arith.minsi %min3A_120, %max3A_119 : vector<16xi32>
    %swap3A_122 = arith.constant 96 : index
    %swap3A_123 = tpu.vector_load %arg5[%swap3A_122] {strides = array<i32>} : memref<128xi32, #tpu.memory_space<vmem>>, vector<16xi32>,
    %swap3A_124 = vector.shape_cast %swap3A_123 : vector<16xi32> to vector<16xi32>
    %swap3A_125 = vector.shape_cast %min3A_121 : vector<16xi32> to vector<16xi32>
    tpu.vector_store %arg5[%swap3A_122], %swap3A_125 {strides = array<i32>} : memref<128xi32, #tpu.memory_space<vmem>>, vector<16xi32>,
    %sub3A_126 = arith.constant 112 : i32
    %sub3A_127 = arith.subi %add3A_27, %sub3A_126 : i32
    %sub3A_128 = vector.broadcast %sub3A_127 : i32 to vector<16xi32>
    %sub3A_129 = arith.subi %sub3A_128, %iota3A : vector<16xi32>
    %jit3A_130 = arith.constant 0 : i32
    %jit3A_131 = arith.constant 1022 : i32
    %max3A_132 = vector.broadcast %jit3A_130 : i32 to vector<16xi32>
    %max3A_133 = arith.maxsi %max3A_132, %sub3A_129 : vector<16xi32>
    %min3A_134 = vector.broadcast %jit3A_131 : i32 to vector<16xi32>
    %min3A_135 = arith.minsi %min3A_134, %max3A_133 : vector<16xi32>
    %swap3A_136 = arith.constant 112 : index
    %swap3A_137 = tpu.vector_load %arg5[%swap3A_136] {strides = array<i32>} : memref<128xi32, #tpu.memory_space<vmem>>, vector<16xi32>,
    %swap3A_138 = vector.shape_cast %swap3A_137 : vector<16xi32> to vector<16xi32>
    %swap3A_139 = vector.shape_cast %min3A_135 : vector<16xi32> to vector<16xi32>
    tpu.vector_store %arg5[%swap3A_136], %swap3A_139 {strides = array<i32>} : memref<128xi32, #tpu.memory_space<vmem>>, vector<16xi32>,
    %sub3A_140 = arith.constant 128 : i32
    %sub3A_141 = arith.subi %add3A_27, %sub3A_140 : i32
    %sub3A_142 = vector.broadcast %sub3A_141 : i32 to vector<16xi32>
    %sub3A_143 = arith.subi %sub3A_142, %iota3A : vector<16xi32>
    %jit3A_144 = arith.constant 0 : i32
    %jit3A_145 = arith.constant 1022 : i32
    %max3A_146 = vector.broadcast %jit3A_144 : i32 to vector<16xi32>
    %max3A_147 = arith.maxsi %max3A_146, %sub3A_143 : vector<16xi32>
    %min3A_148 = vector.broadcast %jit3A_145 : i32 to vector<16xi32>
    %min3A_149 = arith.minsi %min3A_148, %max3A_147 : vector<16xi32>
    %swap3A_150 = arith.constant 0 : index
    %swap3A_151 = tpu.vector_load %arg6[%swap3A_150] {strides = array<i32>} : memref<64xi32, #tpu.memory_space<vmem>>, vector<16xi32>,
    %swap3A_152 = vector.shape_cast %swap3A_151 : vector<16xi32> to vector<16xi32>
    %swap3A_153 = vector.shape_cast %min3A_149 : vector<16xi32> to vector<16xi32>
    tpu.vector_store %arg6[%swap3A_150], %swap3A_153 {strides = array<i32>} : memref<64xi32, #tpu.memory_space<vmem>>, vector<16xi32>,
    %sub3A_154 = arith.constant 144 : i32
    %sub3A_155 = arith.subi %add3A_27, %sub3A_154 : i32
    %sub3A_156 = vector.broadcast %sub3A_155 : i32 to vector<16xi32>
    %sub3A_157 = arith.subi %sub3A_156, %iota3A : vector<16xi32>
    %jit3A_158 = arith.constant 0 : i32
    %jit3A_159 = arith.constant 1022 : i32
    %max3A_160 = vector.broadcast %jit3A_158 : i32 to vector<16xi32>
    %max3A_161 = arith.maxsi %max3A_160, %sub3A_157 : vector<16xi32>
    %min3A_162 = vector.broadcast %jit3A_159 : i32 to vector<16xi32>
    %min3A_163 = arith.minsi %min3A_162, %max3A_161 : vector<16xi32>
    %swap3A_164 = arith.constant 16 : index
    %swap3A_165 = tpu.vector_load %arg6[%swap3A_164] {strides = array<i32>} : memref<64xi32, #tpu.memory_space<vmem>>, vector<16xi32>,
    %swap3A_166 = vector.shape_cast %swap3A_165 : vector<16xi32> to vector<16xi32>
    %swap3A_167 = vector.shape_cast %min3A_163 : vector<16xi32> to vector<16xi32>
    tpu.vector_store %arg6[%swap3A_164], %swap3A_167 {strides = array<i32>} : memref<64xi32, #tpu.memory_space<vmem>>, vector<16xi32>,
    %sub3A_168 = arith.constant 160 : i32
    %sub3A_169 = arith.subi %add3A_27, %sub3A_168 : i32
    %sub3A_170 = vector.broadcast %sub3A_169 : i32 to vector<16xi32>
    %sub3A_171 = arith.subi %sub3A_170, %iota3A : vector<16xi32>
    %jit3A_172 = arith.constant 0 : i32
    %jit3A_173 = arith.constant 1022 : i32
    %max3A_174 = vector.broadcast %jit3A_172 : i32 to vector<16xi32>
    %max3A_175 = arith.maxsi %max3A_174, %sub3A_171 : vector<16xi32>
    %min3A_176 = vector.broadcast %jit3A_173 : i32 to vector<16xi32>
    %min3A_177 = arith.minsi %min3A_176, %max3A_175 : vector<16xi32>
    %swap3A_178 = arith.constant 32 : index
    %swap3A_179 = tpu.vector_load %arg6[%swap3A_178] {strides = array<i32>} : memref<64xi32, #tpu.memory_space<vmem>>, vector<16xi32>,
    %swap3A_180 = vector.shape_cast %swap3A_179 : vector<16xi32> to vector<16xi32>
    %swap3A_181 = vector.shape_cast %min3A_177 : vector<16xi32> to vector<16xi32>
    tpu.vector_store %arg6[%swap3A_178], %swap3A_181 {strides = array<i32>} : memref<64xi32, #tpu.memory_space<vmem>>, vector<16xi32>,
    %sub3A_182 = arith.constant 176 : i32
    %sub3A_183 = arith.subi %add3A_27, %sub3A_182 : i32
    %sub3A_184 = vector.broadcast %sub3A_183 : i32 to vector<16xi32>
    %sub3A_185 = arith.subi %sub3A_184, %iota3A : vector<16xi32>
    %jit3A_186 = arith.constant 0 : i32
    %jit3A_187 = arith.constant 1022 : i32
    %max3A_188 = vector.broadcast %jit3A_186 : i32 to vector<16xi32>
    %max3A_189 = arith.maxsi %max3A_188, %sub3A_185 : vector<16xi32>
    %min3A_190 = vector.broadcast %jit3A_187 : i32 to vector<16xi32>
    %min3A_191 = arith.minsi %min3A_190, %max3A_189 : vector<16xi32>
    %swap3A_192 = arith.constant 48 : index
    %swap3A_193 = tpu.vector_load %arg6[%swap3A_192] {strides = array<i32>} : memref<64xi32, #tpu.memory_space<vmem>>, vector<16xi32>,
    %swap3A_194 = vector.shape_cast %swap3A_193 : vector<16xi32> to vector<16xi32>
    %swap3A_195 = vector.shape_cast %min3A_191 : vector<16xi32> to vector<16xi32>
    tpu.vector_store %arg6[%swap3A_192], %swap3A_195 {strides = array<i32>} : memref<64xi32, #tpu.memory_space<vmem>>, vector<16xi32>,
    %dma_start3A_196 = arith.constant 0 : i32
    %dma_start3A_197 = arith.constant 0 : i32
    %dma_start3A_198 = tpu.memref_slice %arg7[%dma_start3A_196, %dma_start3A_197] : memref<192x128xf32, #tpu.memory_space<vmem>> -> memref<128x128xf32, #tpu.memory_space<vmem>>
    %dma_start3A_199 = arith.constant 0 : i32
    %dma_start3A_200 = arith.constant 0 : i32
    %dma_start3A_201 = tpu.memref_slice %arg3[%dma_start3A_199, %dma_start3A_200] : memref<1023x128xf32, #tpu.memory_space<hbm>> -> memref<1023x128xf32, #tpu.memory_space<hbm>>
    tpu.enqueue_indirect_dma source(%dma_start3A_201 : memref<1023x128xf32, #tpu.memory_space<hbm>>) target(%dma_start3A_198 : memref<128x128xf32, #tpu.memory_space<vmem>>) offsets(%arg5 : memref<128xi32, #tpu.memory_space<vmem>>) semaphore(%arg12 : memref<!tpu.dma_semaphore, #tpu.memory_space<semaphore_mem>>)
    %dma_start3A_202 = arith.constant 128 : i32
    %dma_start3A_203 = arith.constant 0 : i32
    %dma_start3A_204 = tpu.memref_slice %arg7[%dma_start3A_202, %dma_start3A_203] : memref<192x128xf32, #tpu.memory_space<vmem>> -> memref<64x128xf32, #tpu.memory_space<vmem>>
    %dma_start3A_205 = arith.constant 0 : i32
    %dma_start3A_206 = arith.constant 0 : i32
    %dma_start3A_207 = tpu.memref_slice %arg3[%dma_start3A_205, %dma_start3A_206] : memref<1023x128xf32, #tpu.memory_space<hbm>> -> memref<1023x128xf32, #tpu.memory_space<hbm>>
    tpu.enqueue_indirect_dma source(%dma_start3A_207 : memref<1023x128xf32, #tpu.memory_space<hbm>>) target(%dma_start3A_204 : memref<64x128xf32, #tpu.memory_space<vmem>>) offsets(%arg6 : memref<64xi32, #tpu.memory_space<vmem>>) semaphore(%arg11 : memref<!tpu.dma_semaphore, #tpu.memory_space<semaphore_mem>>)
    %dma_wait3A = arith.constant 0 : i32
    %dma_wait3A_208 = tpu.memref_slice %arg2[%mul3A_22, %dma_wait3A] : memref<512x128xf32, #tpu.memory_space<hbm>> -> memref<128x128xf32, #tpu.memory_space<hbm>>
    %dma_wait3A_209 = arith.constant 0 : i32
    %dma_wait3A_210 = tpu.memref_slice %arg2[%mul3A_22, %dma_wait3A_209] : memref<512x128xf32, #tpu.memory_space<hbm>> -> memref<128x128xf32, #tpu.memory_space<hbm>>
    tpu.wait_dma2 semaphore(%arg11 : memref<!tpu.dma_semaphore, #tpu.memory_space<semaphore_mem>>) src(%dma_wait3A_210 : memref<128x128xf32, #tpu.memory_space<hbm>>) dst(%arg8 : memref<128x128xf32, #tpu.memory_space<vmem>>)
    %dma_wait3A_211 = arith.constant 0 : i32
    %dma_wait3A_212 = arith.constant 0 : i32
    %dma_wait3A_213 = tpu.memref_slice %arg7[%dma_wait3A_211, %dma_wait3A_212] : memref<192x128xf32, #tpu.memory_space<vmem>> -> memref<128x128xf32, #tpu.memory_space<vmem>>
    %dma_wait3A_214 = arith.constant 0 : i32
    %dma_wait3A_215 = arith.constant 0 : i32
    %dma_wait3A_216 = tpu.memref_slice %arg3[%dma_wait3A_214, %dma_wait3A_215] : memref<1023x128xf32, #tpu.memory_space<hbm>> -> memref<1023x128xf32, #tpu.memory_space<hbm>>
    tpu.wait_indirect_dma semaphore(%arg12 : memref<!tpu.dma_semaphore, #tpu.memory_space<semaphore_mem>>) src(%dma_wait3A_216 : memref<1023x128xf32, #tpu.memory_space<hbm>>) dst(%dma_wait3A_213 : memref<128x128xf32, #tpu.memory_space<vmem>>)
    %dma_wait3A_217 = arith.constant 128 : i32
    %dma_wait3A_218 = arith.constant 0 : i32
    %dma_wait3A_219 = tpu.memref_slice %arg7[%dma_wait3A_217, %dma_wait3A_218] : memref<192x128xf32, #tpu.memory_space<vmem>> -> memref<64x128xf32, #tpu.memory_space<vmem>>
    %dma_wait3A_220 = arith.constant 0 : i32
    %dma_wait3A_221 = arith.constant 0 : i32
    %dma_wait3A_222 = tpu.memref_slice %arg3[%dma_wait3A_220, %dma_wait3A_221] : memref<1023x128xf32, #tpu.memory_space<hbm>> -> memref<1023x128xf32, #tpu.memory_space<hbm>>
    tpu.wait_indirect_dma semaphore(%arg11 : memref<!tpu.dma_semaphore, #tpu.memory_space<semaphore_mem>>) src(%dma_wait3A_222 : memref<1023x128xf32, #tpu.memory_space<hbm>>) dst(%dma_wait3A_219 : memref<64x128xf32, #tpu.memory_space<vmem>>)
    %scan3A = arith.constant 0 : i32
    %scan3A_223 = arith.constant 0 : i32
    %scan3A_224 = arith.constant 16 : i32
    %scan3A_225 = arith.addi %scan3A_223, %scan3A_224 : i32
    %scan3A_226 = arith.constant 1 : i32
    scf.for %scan3A_244 = %scan3A_223 to %scan3A_225 step %scan3A_226  : i32 {
      %mul3A_245 = arith.constant 4 : i32
      %mul3A_246 = arith.muli %mul3A_245, %scan3A_244 : i32
      %gt3A = arith.constant 0 : i32
      %gt3A_247 = arith.cmpi sgt, %scan3A_244, %gt3A : i32
      %convert_element_type3A = arith.extui %gt3A_247 : i1 to i32
      %cond3A = arith.constant 0 : i32
      %cond3A_248 = arith.cmpi ne, %convert_element_type3A, %cond3A : i32
      scf.if %cond3A_248 {
        %add3A_380 = arith.addi %mul3A_20, %mul3A_246 : i32
        %dma_wait3A_381 = arith.constant 0 : i32
        %dma_wait3A_382 = arith.constant 0 : i32
        %dma_wait3A_383 = tpu.memref_slice %arg4[%add3A_380, %rem3A_18, %dma_wait3A_381, %dma_wait3A_382] : memref<512x4x128x128xf32, #tpu.memory_space<hbm>> -> memref<2x1x128x128xf32, #tpu.memory_space<hbm>>
        %dma_wait3A_384 = tpu.memref_squeeze %dma_wait3A_383 : memref<2x1x128x128xf32, #tpu.memory_space<hbm>> -> memref<2x128x128xf32, #tpu.memory_space<hbm>>
        %dma_wait3A_385 = arith.constant 0 : i32
        %dma_wait3A_386 = arith.constant 0 : i32
        %dma_wait3A_387 = tpu.memref_slice %arg4[%add3A_380, %rem3A_18, %dma_wait3A_385, %dma_wait3A_386] : memref<512x4x128x128xf32, #tpu.memory_space<hbm>> -> memref<2x1x128x128xf32, #tpu.memory_space<hbm>>
        %dma_wait3A_388 = tpu.memref_squeeze %dma_wait3A_387 : memref<2x1x128x128xf32, #tpu.memory_space<hbm>> -> memref<2x128x128xf32, #tpu.memory_space<hbm>>
        tpu.wait_dma2 semaphore(%arg11 : memref<!tpu.dma_semaphore, #tpu.memory_space<semaphore_mem>>) src(%arg9 : memref<2x128x128xf32, #tpu.memory_space<vmem>>) dst(%dma_wait3A_388 : memref<2x128x128xf32, #tpu.memory_space<hbm>>)
      } else {
      }
      %sub3A_249 = arith.constant 63 : i32
      %sub3A_250 = arith.subi %sub3A_249, %mul3A_246 : i32
      %sub3A_251 = arith.constant 1 : i32
      %sub3A_252 = arith.subi %sub3A_250, %sub3A_251 : i32
      %get3A = arith.index_cast %sub3A_252 : i32 to index
      %get3A_253 = arith.constant 0 : index
      %get3A_254 = tpu.vector_load %arg7[%get3A, %get3A_253] {strides = array<i32>} : memref<192x128xf32, #tpu.memory_space<vmem>>, vector<1x16xf32>,
      %get3A_255 = vector.shape_cast %get3A_254 : vector<1x16xf32> to vector<16xf32>
      %sub3A_256 = arith.constant 1 : i32
      %sub3A_257 = arith.subi %sub3A_250, %sub3A_256 : i32
      %get3A_258 = arith.index_cast %sub3A_257 : i32 to index
      %get3A_259 = arith.constant 16 : index
      %get3A_260 = tpu.vector_load %arg7[%get3A_258, %get3A_259] {strides = array<i32>} : memref<192x128xf32, #tpu.memory_space<vmem>>, vector<1x16xf32>,
      %get3A_261 = vector.shape_cast %get3A_260 : vector<1x16xf32> to vector<16xf32>
      %sub3A_262 = arith.constant 1 : i32
      %sub3A_263 = arith.subi %sub3A_250, %sub3A_262 : i32
      %get3A_264 = arith.index_cast %sub3A_263 : i32 to index
      %get3A_265 = arith.constant 32 : index
      %get3A_266 = tpu.vector_load %arg7[%get3A_264, %get3A_265] {strides = array<i32>} : memref<192x128xf32, #tpu.memory_space<vmem>>, vector<1x16xf32>,
      %get3A_267 = vector.shape_cast %get3A_266 : vector<1x16xf32> to vector<16xf32>
      %sub3A_268 = arith.constant 1 : i32
      %sub3A_269 = arith.subi %sub3A_250, %sub3A_268 : i32
      %get3A_270 = arith.index_cast %sub3A_269 : i32 to index
      %get3A_271 = arith.constant 48 : index
      %get3A_272 = tpu.vector_load %arg7[%get3A_270, %get3A_271] {strides = array<i32>} : memref<192x128xf32, #tpu.memory_space<vmem>>, vector<1x16xf32>,
      %get3A_273 = vector.shape_cast %get3A_272 : vector<1x16xf32> to vector<16xf32>
      %sub3A_274 = arith.constant 1 : i32
      %sub3A_275 = arith.subi %sub3A_250, %sub3A_274 : i32
      %get3A_276 = arith.index_cast %sub3A_275 : i32 to index
      %get3A_277 = arith.constant 64 : index
      %get3A_278 = tpu.vector_load %arg7[%get3A_276, %get3A_277] {strides = array<i32>} : memref<192x128xf32, #tpu.memory_space<vmem>>, vector<1x16xf32>,
      %get3A_279 = vector.shape_cast %get3A_278 : vector<1x16xf32> to vector<16xf32>
      %sub3A_280 = arith.constant 1 : i32
      %sub3A_281 = arith.subi %sub3A_250, %sub3A_280 : i32
      %get3A_282 = arith.index_cast %sub3A_281 : i32 to index
      %get3A_283 = arith.constant 80 : index
      %get3A_284 = tpu.vector_load %arg7[%get3A_282, %get3A_283] {strides = array<i32>} : memref<192x128xf32, #tpu.memory_space<vmem>>, vector<1x16xf32>,
      %get3A_285 = vector.shape_cast %get3A_284 : vector<1x16xf32> to vector<16xf32>
      %sub3A_286 = arith.constant 1 : i32
      %sub3A_287 = arith.subi %sub3A_250, %sub3A_286 : i32
      %get3A_288 = arith.index_cast %sub3A_287 : i32 to index
      %get3A_289 = arith.constant 96 : index
      %get3A_290 = tpu.vector_load %arg7[%get3A_288, %get3A_289] {strides = array<i32>} : memref<192x128xf32, #tpu.memory_space<vmem>>, vector<1x16xf32>,
      %get3A_291 = vector.shape_cast %get3A_290 : vector<1x16xf32> to vector<16xf32>
      %sub3A_292 = arith.constant 1 : i32
      %sub3A_293 = arith.subi %sub3A_250, %sub3A_292 : i32
      %get3A_294 = arith.index_cast %sub3A_293 : i32 to index
      %get3A_295 = arith.constant 112 : index
      %get3A_296 = tpu.vector_load %arg7[%get3A_294, %get3A_295] {strides = array<i32>} : memref<192x128xf32, #tpu.memory_space<vmem>>, vector<1x16xf32>,
      %get3A_297 = vector.shape_cast %get3A_296 : vector<1x16xf32> to vector<16xf32>
      %parallel_loop3A = arith.constant 0 : i32
      %parallel_loop3A_298 = arith.constant 128 : i32
      %parallel_loop3A_299 = arith.constant 2 : i32
      %parallel_loop3A_300:8 = scf.for %parallel_loop3A_380 = %parallel_loop3A to %parallel_loop3A_298 step %parallel_loop3A_299 iter_args(%parallel_loop3A_381 = %get3A_255, %parallel_loop3A_382 = %get3A_261, %parallel_loop3A_383 = %get3A_267, %parallel_loop3A_384 = %get3A_273, %parallel_loop3A_385 = %get3A_279, %parallel_loop3A_386 = %get3A_285, %parallel_loop3A_387 = %get3A_291, %parallel_loop3A_388 = %get3A_297) -> (vector<16xf32>, vector<16xf32>, vector<16xf32>, vector<16xf32>, vector<16xf32>, vector<16xf32>, vector<16xf32>, vector<16xf32>)  : i32 {
        %parallel_loop3A_389 = arith.addi %sub3A_250, %parallel_loop3A_380 : i32
        %parallel_loop3A_390 = arith.index_cast %parallel_loop3A_389 : i32 to index
        %parallel_loop3A_391 = arith.constant 0 : index
        %parallel_loop3A_392 = tpu.vector_load %arg7[%parallel_loop3A_390, %parallel_loop3A_391] {strides = array<i32>} : memref<192x128xf32, #tpu.memory_space<vmem>>, vector<1x16xf32>,
        %parallel_loop3A_393 = vector.shape_cast %parallel_loop3A_392 : vector<1x16xf32> to vector<16xf32>
        %parallel_loop3A_394 = arith.index_cast %parallel_loop3A_389 : i32 to index
        %parallel_loop3A_395 = arith.constant 16 : index
        %parallel_loop3A_396 = tpu.vector_load %arg7[%parallel_loop3A_394, %parallel_loop3A_395] {strides = array<i32>} : memref<192x128xf32, #tpu.memory_space<vmem>>, vector<1x16xf32>,
        %parallel_loop3A_397 = vector.shape_cast %parallel_loop3A_396 : vector<1x16xf32> to vector<16xf32>
        %parallel_loop3A_398 = arith.index_cast %parallel_loop3A_389 : i32 to index
        %parallel_loop3A_399 = arith.constant 32 : index
        %parallel_loop3A_400 = tpu.vector_load %arg7[%parallel_loop3A_398, %parallel_loop3A_399] {strides = array<i32>} : memref<192x128xf32, #tpu.memory_space<vmem>>, vector<1x16xf32>,
        %parallel_loop3A_401 = vector.shape_cast %parallel_loop3A_400 : vector<1x16xf32> to vector<16xf32>
        %parallel_loop3A_402 = arith.index_cast %parallel_loop3A_389 : i32 to index
        %parallel_loop3A_403 = arith.constant 48 : index
        %parallel_loop3A_404 = tpu.vector_load %arg7[%parallel_loop3A_402, %parallel_loop3A_403] {strides = array<i32>} : memref<192x128xf32, #tpu.memory_space<vmem>>, vector<1x16xf32>,
        %parallel_loop3A_405 = vector.shape_cast %parallel_loop3A_404 : vector<1x16xf32> to vector<16xf32>
        %parallel_loop3A_406 = arith.index_cast %parallel_loop3A_389 : i32 to index
        %parallel_loop3A_407 = arith.constant 64 : index
        %parallel_loop3A_408 = tpu.vector_load %arg7[%parallel_loop3A_406, %parallel_loop3A_407] {strides = array<i32>} : memref<192x128xf32, #tpu.memory_space<vmem>>, vector<1x16xf32>,
        %parallel_loop3A_409 = vector.shape_cast %parallel_loop3A_408 : vector<1x16xf32> to vector<16xf32>
        %parallel_loop3A_410 = arith.index_cast %parallel_loop3A_389 : i32 to index
        %parallel_loop3A_411 = arith.constant 80 : index
        %parallel_loop3A_412 = tpu.vector_load %arg7[%parallel_loop3A_410, %parallel_loop3A_411] {strides = array<i32>} : memref<192x128xf32, #tpu.memory_space<vmem>>, vector<1x16xf32>,
        %parallel_loop3A_413 = vector.shape_cast %parallel_loop3A_412 : vector<1x16xf32> to vector<16xf32>
        %parallel_loop3A_414 = arith.index_cast %parallel_loop3A_389 : i32 to index
        %parallel_loop3A_415 = arith.constant 96 : index
        %parallel_loop3A_416 = tpu.vector_load %arg7[%parallel_loop3A_414, %parallel_loop3A_415] {strides = array<i32>} : memref<192x128xf32, #tpu.memory_space<vmem>>, vector<1x16xf32>,
        %parallel_loop3A_417 = vector.shape_cast %parallel_loop3A_416 : vector<1x16xf32> to vector<16xf32>
        %parallel_loop3A_418 = arith.index_cast %parallel_loop3A_389 : i32 to index
        %parallel_loop3A_419 = arith.constant 112 : index
        %parallel_loop3A_420 = tpu.vector_load %arg7[%parallel_loop3A_418, %parallel_loop3A_419] {strides = array<i32>} : memref<192x128xf32, #tpu.memory_space<vmem>>, vector<1x16xf32>,
        %parallel_loop3A_421 = vector.shape_cast %parallel_loop3A_420 : vector<1x16xf32> to vector<16xf32>
        %parallel_loop3A_422 = arith.constant 1 : i32
        %parallel_loop3A_423 = arith.addi %parallel_loop3A_389, %parallel_loop3A_422 : i32
        %parallel_loop3A_424 = arith.index_cast %parallel_loop3A_423 : i32 to index
        %parallel_loop3A_425 = arith.constant 0 : index
        %parallel_loop3A_426 = tpu.vector_load %arg7[%parallel_loop3A_424, %parallel_loop3A_425] {strides = array<i32>} : memref<192x128xf32, #tpu.memory_space<vmem>>, vector<1x16xf32>,
        %parallel_loop3A_427 = vector.shape_cast %parallel_loop3A_426 : vector<1x16xf32> to vector<16xf32>
        %parallel_loop3A_428 = arith.constant 1 : i32
        %parallel_loop3A_429 = arith.addi %parallel_loop3A_389, %parallel_loop3A_428 : i32
        %parallel_loop3A_430 = arith.index_cast %parallel_loop3A_429 : i32 to index
        %parallel_loop3A_431 = arith.constant 16 : index
        %parallel_loop3A_432 = tpu.vector_load %arg7[%parallel_loop3A_430, %parallel_loop3A_431] {strides = array<i32>} : memref<192x128xf32, #tpu.memory_space<vmem>>, vector<1x16xf32>,
        %parallel_loop3A_433 = vector.shape_cast %parallel_loop3A_432 : vector<1x16xf32> to vector<16xf32>
        %parallel_loop3A_434 = arith.constant 1 : i32
        %parallel_loop3A_435 = arith.addi %parallel_loop3A_389, %parallel_loop3A_434 : i32
        %parallel_loop3A_436 = arith.index_cast %parallel_loop3A_435 : i32 to index
        %parallel_loop3A_437 = arith.constant 32 : index
        %parallel_loop3A_438 = tpu.vector_load %arg7[%parallel_loop3A_436, %parallel_loop3A_437] {strides = array<i32>} : memref<192x128xf32, #tpu.memory_space<vmem>>, vector<1x16xf32>,
        %parallel_loop3A_439 = vector.shape_cast %parallel_loop3A_438 : vector<1x16xf32> to vector<16xf32>
        %parallel_loop3A_440 = arith.constant 1 : i32
        %parallel_loop3A_441 = arith.addi %parallel_loop3A_389, %parallel_loop3A_440 : i32
        %parallel_loop3A_442 = arith.index_cast %parallel_loop3A_441 : i32 to index
        %parallel_loop3A_443 = arith.constant 48 : index
        %parallel_loop3A_444 = tpu.vector_load %arg7[%parallel_loop3A_442, %parallel_loop3A_443] {strides = array<i32>} : memref<192x128xf32, #tpu.memory_space<vmem>>, vector<1x16xf32>,
        %parallel_loop3A_445 = vector.shape_cast %parallel_loop3A_444 : vector<1x16xf32> to vector<16xf32>
        %parallel_loop3A_446 = arith.constant 1 : i32
        %parallel_loop3A_447 = arith.addi %parallel_loop3A_389, %parallel_loop3A_446 : i32
        %parallel_loop3A_448 = arith.index_cast %parallel_loop3A_447 : i32 to index
        %parallel_loop3A_449 = arith.constant 64 : index
        %parallel_loop3A_450 = tpu.vector_load %arg7[%parallel_loop3A_448, %parallel_loop3A_449] {strides = array<i32>} : memref<192x128xf32, #tpu.memory_space<vmem>>, vector<1x16xf32>,
        %parallel_loop3A_451 = vector.shape_cast %parallel_loop3A_450 : vector<1x16xf32> to vector<16xf32>
        %parallel_loop3A_452 = arith.constant 1 : i32
        %parallel_loop3A_453 = arith.addi %parallel_loop3A_389, %parallel_loop3A_452 : i32
        %parallel_loop3A_454 = arith.index_cast %parallel_loop3A_453 : i32 to index
        %parallel_loop3A_455 = arith.constant 80 : index
        %parallel_loop3A_456 = tpu.vector_load %arg7[%parallel_loop3A_454, %parallel_loop3A_455] {strides = array<i32>} : memref<192x128xf32, #tpu.memory_space<vmem>>, vector<1x16xf32>,
        %parallel_loop3A_457 = vector.shape_cast %parallel_loop3A_456 : vector<1x16xf32> to vector<16xf32>
        %parallel_loop3A_458 = arith.constant 1 : i32
        %parallel_loop3A_459 = arith.addi %parallel_loop3A_389, %parallel_loop3A_458 : i32
        %parallel_loop3A_460 = arith.index_cast %parallel_loop3A_459 : i32 to index
        %parallel_loop3A_461 = arith.constant 96 : index
        %parallel_loop3A_462 = tpu.vector_load %arg7[%parallel_loop3A_460, %parallel_loop3A_461] {strides = array<i32>} : memref<192x128xf32, #tpu.memory_space<vmem>>, vector<1x16xf32>,
        %parallel_loop3A_463 = vector.shape_cast %parallel_loop3A_462 : vector<1x16xf32> to vector<16xf32>
        %parallel_loop3A_464 = arith.constant 1 : i32
        %parallel_loop3A_465 = arith.addi %parallel_loop3A_389, %parallel_loop3A_464 : i32
        %parallel_loop3A_466 = arith.index_cast %parallel_loop3A_465 : i32 to index
        %parallel_loop3A_467 = arith.constant 112 : index
        %parallel_loop3A_468 = tpu.vector_load %arg7[%parallel_loop3A_466, %parallel_loop3A_467] {strides = array<i32>} : memref<192x128xf32, #tpu.memory_space<vmem>>, vector<1x16xf32>,
        %parallel_loop3A_469 = vector.shape_cast %parallel_loop3A_468 : vector<1x16xf32> to vector<16xf32>
        %parallel_loop3A_470 = arith.index_cast %parallel_loop3A_380 : i32 to index
        %parallel_loop3A_471 = arith.constant 0 : index
        %parallel_loop3A_472 = tpu.vector_load %arg8[%parallel_loop3A_470, %parallel_loop3A_471] {strides = array<i32>} : memref<128x128xf32, #tpu.memory_space<vmem>>, vector<1x16xf32>,
        %parallel_loop3A_473 = vector.shape_cast %parallel_loop3A_472 : vector<1x16xf32> to vector<16xf32>
        %parallel_loop3A_474 = arith.addf %parallel_loop3A_473, %parallel_loop3A_393 : vector<16xf32>
        %parallel_loop3A_475 = arith.constant 0 : i32
        %parallel_loop3A_476 = arith.index_cast %parallel_loop3A_475 : i32 to index
        %parallel_loop3A_477 = arith.index_cast %parallel_loop3A_380 : i32 to index
        %parallel_loop3A_478 = arith.constant 0 : index
        %parallel_loop3A_479 = tpu.vector_load %arg9[%parallel_loop3A_476, %parallel_loop3A_477, %parallel_loop3A_478] {strides = array<i32>} : memref<2x128x128xf32, #tpu.memory_space<vmem>>, vector<1x1x16xf32>,
        %parallel_loop3A_480 = vector.shape_cast %parallel_loop3A_479 : vector<1x1x16xf32> to vector<16xf32>
        %parallel_loop3A_481 = vector.shape_cast %parallel_loop3A_474 : vector<16xf32> to vector<1x1x16xf32>
        tpu.vector_store %arg9[%parallel_loop3A_476, %parallel_loop3A_477, %parallel_loop3A_478], %parallel_loop3A_481 {strides = array<i32>} : memref<2x128x128xf32, #tpu.memory_space<vmem>>, vector<1x1x16xf32>,
        %parallel_loop3A_482 = arith.addf %parallel_loop3A_473, %parallel_loop3A_381 : vector<16xf32>
        %parallel_loop3A_483 = arith.constant 1 : i32
        %parallel_loop3A_484 = arith.index_cast %parallel_loop3A_483 : i32 to index
        %parallel_loop3A_485 = arith.index_cast %parallel_loop3A_380 : i32 to index
        %parallel_loop3A_486 = arith.constant 0 : index
        %parallel_loop3A_487 = tpu.vector_load %arg9[%parallel_loop3A_484, %parallel_loop3A_485, %parallel_loop3A_486] {strides = array<i32>} : memref<2x128x128xf32, #tpu.memory_space<vmem>>, vector<1x1x16xf32>,
        %parallel_loop3A_488 = vector.shape_cast %parallel_loop3A_487 : vector<1x1x16xf32> to vector<16xf32>
        %parallel_loop3A_489 = vector.shape_cast %parallel_loop3A_482 : vector<16xf32> to vector<1x1x16xf32>
        tpu.vector_store %arg9[%parallel_loop3A_484, %parallel_loop3A_485, %parallel_loop3A_486], %parallel_loop3A_489 {strides = array<i32>} : memref<2x128x128xf32, #tpu.memory_space<vmem>>, vector<1x1x16xf32>,
        %parallel_loop3A_490 = arith.constant 1 : i32
        %parallel_loop3A_491 = arith.addi %parallel_loop3A_380, %parallel_loop3A_490 : i32
        %parallel_loop3A_492 = arith.index_cast %parallel_loop3A_491 : i32 to index
        %parallel_loop3A_493 = arith.constant 0 : index
        %parallel_loop3A_494 = tpu.vector_load %arg8[%parallel_loop3A_492, %parallel_loop3A_493] {strides = array<i32>} : memref<128x128xf32, #tpu.memory_space<vmem>>, vector<1x16xf32>,
        %parallel_loop3A_495 = vector.shape_cast %parallel_loop3A_494 : vector<1x16xf32> to vector<16xf32>
        %parallel_loop3A_496 = arith.addf %parallel_loop3A_495, %parallel_loop3A_427 : vector<16xf32>
        %parallel_loop3A_497 = arith.constant 1 : i32
        %parallel_loop3A_498 = arith.addi %parallel_loop3A_380, %parallel_loop3A_497 : i32
        %parallel_loop3A_499 = arith.constant 0 : i32
        %parallel_loop3A_500 = arith.index_cast %parallel_loop3A_499 : i32 to index
        %parallel_loop3A_501 = arith.index_cast %parallel_loop3A_498 : i32 to index
        %parallel_loop3A_502 = arith.constant 0 : index
        %parallel_loop3A_503 = tpu.vector_load %arg9[%parallel_loop3A_500, %parallel_loop3A_501, %parallel_loop3A_502] {strides = array<i32>} : memref<2x128x128xf32, #tpu.memory_space<vmem>>, vector<1x1x16xf32>,
        %parallel_loop3A_504 = vector.shape_cast %parallel_loop3A_503 : vector<1x1x16xf32> to vector<16xf32>
        %parallel_loop3A_505 = vector.shape_cast %parallel_loop3A_496 : vector<16xf32> to vector<1x1x16xf32>
        tpu.vector_store %arg9[%parallel_loop3A_500, %parallel_loop3A_501, %parallel_loop3A_502], %parallel_loop3A_505 {strides = array<i32>} : memref<2x128x128xf32, #tpu.memory_space<vmem>>, vector<1x1x16xf32>,
        %parallel_loop3A_506 = arith.addf %parallel_loop3A_495, %parallel_loop3A_393 : vector<16xf32>
        %parallel_loop3A_507 = arith.constant 1 : i32
        %parallel_loop3A_508 = arith.addi %parallel_loop3A_380, %parallel_loop3A_507 : i32
        %parallel_loop3A_509 = arith.constant 1 : i32
        %parallel_loop3A_510 = arith.index_cast %parallel_loop3A_509 : i32 to index
        %parallel_loop3A_511 = arith.index_cast %parallel_loop3A_508 : i32 to index
        %parallel_loop3A_512 = arith.constant 0 : index
        %parallel_loop3A_513 = tpu.vector_load %arg9[%parallel_loop3A_510, %parallel_loop3A_511, %parallel_loop3A_512] {strides = array<i32>} : memref<2x128x128xf32, #tpu.memory_space<vmem>>, vector<1x1x16xf32>,
        %parallel_loop3A_514 = vector.shape_cast %parallel_loop3A_513 : vector<1x1x16xf32> to vector<16xf32>
        %parallel_loop3A_515 = vector.shape_cast %parallel_loop3A_506 : vector<16xf32> to vector<1x1x16xf32>
        tpu.vector_store %arg9[%parallel_loop3A_510, %parallel_loop3A_511, %parallel_loop3A_512], %parallel_loop3A_515 {strides = array<i32>} : memref<2x128x128xf32, #tpu.memory_space<vmem>>, vector<1x1x16xf32>,
        %parallel_loop3A_516 = arith.index_cast %parallel_loop3A_380 : i32 to index
        %parallel_loop3A_517 = arith.constant 16 : index
        %parallel_loop3A_518 = tpu.vector_load %arg8[%parallel_loop3A_516, %parallel_loop3A_517] {strides = array<i32>} : memref<128x128xf32, #tpu.memory_space<vmem>>, vector<1x16xf32>,
        %parallel_loop3A_519 = vector.shape_cast %parallel_loop3A_518 : vector<1x16xf32> to vector<16xf32>
        %parallel_loop3A_520 = arith.addf %parallel_loop3A_519, %parallel_loop3A_397 : vector<16xf32>
        %parallel_loop3A_521 = arith.constant 0 : i32
        %parallel_loop3A_522 = arith.index_cast %parallel_loop3A_521 : i32 to index
        %parallel_loop3A_523 = arith.index_cast %parallel_loop3A_380 : i32 to index
        %parallel_loop3A_524 = arith.constant 16 : index
        %parallel_loop3A_525 = tpu.vector_load %arg9[%parallel_loop3A_522, %parallel_loop3A_523, %parallel_loop3A_524] {strides = array<i32>} : memref<2x128x128xf32, #tpu.memory_space<vmem>>, vector<1x1x16xf32>,
        %parallel_loop3A_526 = vector.shape_cast %parallel_loop3A_525 : vector<1x1x16xf32> to vector<16xf32>
        %parallel_loop3A_527 = vector.shape_cast %parallel_loop3A_520 : vector<16xf32> to vector<1x1x16xf32>
        tpu.vector_store %arg9[%parallel_loop3A_522, %parallel_loop3A_523, %parallel_loop3A_524], %parallel_loop3A_527 {strides = array<i32>} : memref<2x128x128xf32, #tpu.memory_space<vmem>>, vector<1x1x16xf32>,
        %parallel_loop3A_528 = arith.addf %parallel_loop3A_519, %parallel_loop3A_382 : vector<16xf32>
        %parallel_loop3A_529 = arith.constant 1 : i32
        %parallel_loop3A_530 = arith.index_cast %parallel_loop3A_529 : i32 to index
        %parallel_loop3A_531 = arith.index_cast %parallel_loop3A_380 : i32 to index
        %parallel_loop3A_532 = arith.constant 16 : index
        %parallel_loop3A_533 = tpu.vector_load %arg9[%parallel_loop3A_530, %parallel_loop3A_531, %parallel_loop3A_532] {strides = array<i32>} : memref<2x128x128xf32, #tpu.memory_space<vmem>>, vector<1x1x16xf32>,
        %parallel_loop3A_534 = vector.shape_cast %parallel_loop3A_533 : vector<1x1x16xf32> to vector<16xf32>
        %parallel_loop3A_535 = vector.shape_cast %parallel_loop3A_528 : vector<16xf32> to vector<1x1x16xf32>
        tpu.vector_store %arg9[%parallel_loop3A_530, %parallel_loop3A_531, %parallel_loop3A_532], %parallel_loop3A_535 {strides = array<i32>} : memref<2x128x128xf32, #tpu.memory_space<vmem>>, vector<1x1x16xf32>,
        %parallel_loop3A_536 = arith.constant 1 : i32
        %parallel_loop3A_537 = arith.addi %parallel_loop3A_380, %parallel_loop3A_536 : i32
        %parallel_loop3A_538 = arith.index_cast %parallel_loop3A_537 : i32 to index
        %parallel_loop3A_539 = arith.constant 16 : index
        %parallel_loop3A_540 = tpu.vector_load %arg8[%parallel_loop3A_538, %parallel_loop3A_539] {strides = array<i32>} : memref<128x128xf32, #tpu.memory_space<vmem>>, vector<1x16xf32>,
        %parallel_loop3A_541 = vector.shape_cast %parallel_loop3A_540 : vector<1x16xf32> to vector<16xf32>
        %parallel_loop3A_542 = arith.addf %parallel_loop3A_541, %parallel_loop3A_433 : vector<16xf32>
        %parallel_loop3A_543 = arith.constant 1 : i32
        %parallel_loop3A_544 = arith.addi %parallel_loop3A_380, %parallel_loop3A_543 : i32
        %parallel_loop3A_545 = arith.constant 0 : i32
        %parallel_loop3A_546 = arith.index_cast %parallel_loop3A_545 : i32 to index
        %parallel_loop3A_547 = arith.index_cast %parallel_loop3A_544 : i32 to index
        %parallel_loop3A_548 = arith.constant 16 : index
        %parallel_loop3A_549 = tpu.vector_load %arg9[%parallel_loop3A_546, %parallel_loop3A_547, %parallel_loop3A_548] {strides = array<i32>} : memref<2x128x128xf32, #tpu.memory_space<vmem>>, vector<1x1x16xf32>,
        %parallel_loop3A_550 = vector.shape_cast %parallel_loop3A_549 : vector<1x1x16xf32> to vector<16xf32>
        %parallel_loop3A_551 = vector.shape_cast %parallel_loop3A_542 : vector<16xf32> to vector<1x1x16xf32>
        tpu.vector_store %arg9[%parallel_loop3A_546, %parallel_loop3A_547, %parallel_loop3A_548], %parallel_loop3A_551 {strides = array<i32>} : memref<2x128x128xf32, #tpu.memory_space<vmem>>, vector<1x1x16xf32>,
        %parallel_loop3A_552 = arith.addf %parallel_loop3A_541, %parallel_loop3A_397 : vector<16xf32>
        %parallel_loop3A_553 = arith.constant 1 : i32
        %parallel_loop3A_554 = arith.addi %parallel_loop3A_380, %parallel_loop3A_553 : i32
        %parallel_loop3A_555 = arith.constant 1 : i32
        %parallel_loop3A_556 = arith.index_cast %parallel_loop3A_555 : i32 to index
        %parallel_loop3A_557 = arith.index_cast %parallel_loop3A_554 : i32 to index
        %parallel_loop3A_558 = arith.constant 16 : index
        %parallel_loop3A_559 = tpu.vector_load %arg9[%parallel_loop3A_556, %parallel_loop3A_557, %parallel_loop3A_558] {strides = array<i32>} : memref<2x128x128xf32, #tpu.memory_space<vmem>>, vector<1x1x16xf32>,
        %parallel_loop3A_560 = vector.shape_cast %parallel_loop3A_559 : vector<1x1x16xf32> to vector<16xf32>
        %parallel_loop3A_561 = vector.shape_cast %parallel_loop3A_552 : vector<16xf32> to vector<1x1x16xf32>
        tpu.vector_store %arg9[%parallel_loop3A_556, %parallel_loop3A_557, %parallel_loop3A_558], %parallel_loop3A_561 {strides = array<i32>} : memref<2x128x128xf32, #tpu.memory_space<vmem>>, vector<1x1x16xf32>,
        %parallel_loop3A_562 = arith.index_cast %parallel_loop3A_380 : i32 to index
        %parallel_loop3A_563 = arith.constant 32 : index
        %parallel_loop3A_564 = tpu.vector_load %arg8[%parallel_loop3A_562, %parallel_loop3A_563] {strides = array<i32>} : memref<128x128xf32, #tpu.memory_space<vmem>>, vector<1x16xf32>,
        %parallel_loop3A_565 = vector.shape_cast %parallel_loop3A_564 : vector<1x16xf32> to vector<16xf32>
        %parallel_loop3A_566 = arith.addf %parallel_loop3A_565, %parallel_loop3A_401 : vector<16xf32>
        %parallel_loop3A_567 = arith.constant 0 : i32
        %parallel_loop3A_568 = arith.index_cast %parallel_loop3A_567 : i32 to index
        %parallel_loop3A_569 = arith.index_cast %parallel_loop3A_380 : i32 to index
        %parallel_loop3A_570 = arith.constant 32 : index
        %parallel_loop3A_571 = tpu.vector_load %arg9[%parallel_loop3A_568, %parallel_loop3A_569, %parallel_loop3A_570] {strides = array<i32>} : memref<2x128x128xf32, #tpu.memory_space<vmem>>, vector<1x1x16xf32>,
        %parallel_loop3A_572 = vector.shape_cast %parallel_loop3A_571 : vector<1x1x16xf32> to vector<16xf32>
        %parallel_loop3A_573 = vector.shape_cast %parallel_loop3A_566 : vector<16xf32> to vector<1x1x16xf32>
        tpu.vector_store %arg9[%parallel_loop3A_568, %parallel_loop3A_569, %parallel_loop3A_570], %parallel_loop3A_573 {strides = array<i32>} : memref<2x128x128xf32, #tpu.memory_space<vmem>>, vector<1x1x16xf32>,
        %parallel_loop3A_574 = arith.addf %parallel_loop3A_565, %parallel_loop3A_383 : vector<16xf32>
        %parallel_loop3A_575 = arith.constant 1 : i32
        %parallel_loop3A_576 = arith.index_cast %parallel_loop3A_575 : i32 to index
        %parallel_loop3A_577 = arith.index_cast %parallel_loop3A_380 : i32 to index
        %parallel_loop3A_578 = arith.constant 32 : index
        %parallel_loop3A_579 = tpu.vector_load %arg9[%parallel_loop3A_576, %parallel_loop3A_577, %parallel_loop3A_578] {strides = array<i32>} : memref<2x128x128xf32, #tpu.memory_space<vmem>>, vector<1x1x16xf32>,
        %parallel_loop3A_580 = vector.shape_cast %parallel_loop3A_579 : vector<1x1x16xf32> to vector<16xf32>
        %parallel_loop3A_581 = vector.shape_cast %parallel_loop3A_574 : vector<16xf32> to vector<1x1x16xf32>
        tpu.vector_store %arg9[%parallel_loop3A_576, %parallel_loop3A_577, %parallel_loop3A_578], %parallel_loop3A_581 {strides = array<i32>} : memref<2x128x128xf32, #tpu.memory_space<vmem>>, vector<1x1x16xf32>,
        %parallel_loop3A_582 = arith.constant 1 : i32
        %parallel_loop3A_583 = arith.addi %parallel_loop3A_380, %parallel_loop3A_582 : i32
        %parallel_loop3A_584 = arith.index_cast %parallel_loop3A_583 : i32 to index
        %parallel_loop3A_585 = arith.constant 32 : index
        %parallel_loop3A_586 = tpu.vector_load %arg8[%parallel_loop3A_584, %parallel_loop3A_585] {strides = array<i32>} : memref<128x128xf32, #tpu.memory_space<vmem>>, vector<1x16xf32>,
        %parallel_loop3A_587 = vector.shape_cast %parallel_loop3A_586 : vector<1x16xf32> to vector<16xf32>
        %parallel_loop3A_588 = arith.addf %parallel_loop3A_587, %parallel_loop3A_439 : vector<16xf32>
        %parallel_loop3A_589 = arith.constant 1 : i32
        %parallel_loop3A_590 = arith.addi %parallel_loop3A_380, %parallel_loop3A_589 : i32
        %parallel_loop3A_591 = arith.constant 0 : i32
        %parallel_loop3A_592 = arith.index_cast %parallel_loop3A_591 : i32 to index
        %parallel_loop3A_593 = arith.index_cast %parallel_loop3A_590 : i32 to index
        %parallel_loop3A_594 = arith.constant 32 : index
        %parallel_loop3A_595 = tpu.vector_load %arg9[%parallel_loop3A_592, %parallel_loop3A_593, %parallel_loop3A_594] {strides = array<i32>} : memref<2x128x128xf32, #tpu.memory_space<vmem>>, vector<1x1x16xf32>,
        %parallel_loop3A_596 = vector.shape_cast %parallel_loop3A_595 : vector<1x1x16xf32> to vector<16xf32>
        %parallel_loop3A_597 = vector.shape_cast %parallel_loop3A_588 : vector<16xf32> to vector<1x1x16xf32>
        tpu.vector_store %arg9[%parallel_loop3A_592, %parallel_loop3A_593, %parallel_loop3A_594], %parallel_loop3A_597 {strides = array<i32>} : memref<2x128x128xf32, #tpu.memory_space<vmem>>, vector<1x1x16xf32>,
        %parallel_loop3A_598 = arith.addf %parallel_loop3A_587, %parallel_loop3A_401 : vector<16xf32>
        %parallel_loop3A_599 = arith.constant 1 : i32
        %parallel_loop3A_600 = arith.addi %parallel_loop3A_380, %parallel_loop3A_599 : i32
        %parallel_loop3A_601 = arith.constant 1 : i32
        %parallel_loop3A_602 = arith.index_cast %parallel_loop3A_601 : i32 to index
        %parallel_loop3A_603 = arith.index_cast %parallel_loop3A_600 : i32 to index
        %parallel_loop3A_604 = arith.constant 32 : index
        %parallel_loop3A_605 = tpu.vector_load %arg9[%parallel_loop3A_602, %parallel_loop3A_603, %parallel_loop3A_604] {strides = array<i32>} : memref<2x128x128xf32, #tpu.memory_space<vmem>>, vector<1x1x16xf32>,
        %parallel_loop3A_606 = vector.shape_cast %parallel_loop3A_605 : vector<1x1x16xf32> to vector<16xf32>
        %parallel_loop3A_607 = vector.shape_cast %parallel_loop3A_598 : vector<16xf32> to vector<1x1x16xf32>
        tpu.vector_store %arg9[%parallel_loop3A_602, %parallel_loop3A_603, %parallel_loop3A_604], %parallel_loop3A_607 {strides = array<i32>} : memref<2x128x128xf32, #tpu.memory_space<vmem>>, vector<1x1x16xf32>,
        %parallel_loop3A_608 = arith.index_cast %parallel_loop3A_380 : i32 to index
        %parallel_loop3A_609 = arith.constant 48 : index
        %parallel_loop3A_610 = tpu.vector_load %arg8[%parallel_loop3A_608, %parallel_loop3A_609] {strides = array<i32>} : memref<128x128xf32, #tpu.memory_space<vmem>>, vector<1x16xf32>,
        %parallel_loop3A_611 = vector.shape_cast %parallel_loop3A_610 : vector<1x16xf32> to vector<16xf32>
        %parallel_loop3A_612 = arith.addf %parallel_loop3A_611, %parallel_loop3A_405 : vector<16xf32>
        %parallel_loop3A_613 = arith.constant 0 : i32
        %parallel_loop3A_614 = arith.index_cast %parallel_loop3A_613 : i32 to index
        %parallel_loop3A_615 = arith.index_cast %parallel_loop3A_380 : i32 to index
        %parallel_loop3A_616 = arith.constant 48 : index
        %parallel_loop3A_617 = tpu.vector_load %arg9[%parallel_loop3A_614, %parallel_loop3A_615, %parallel_loop3A_616] {strides = array<i32>} : memref<2x128x128xf32, #tpu.memory_space<vmem>>, vector<1x1x16xf32>,
        %parallel_loop3A_618 = vector.shape_cast %parallel_loop3A_617 : vector<1x1x16xf32> to vector<16xf32>
        %parallel_loop3A_619 = vector.shape_cast %parallel_loop3A_612 : vector<16xf32> to vector<1x1x16xf32>
        tpu.vector_store %arg9[%parallel_loop3A_614, %parallel_loop3A_615, %parallel_loop3A_616], %parallel_loop3A_619 {strides = array<i32>} : memref<2x128x128xf32, #tpu.memory_space<vmem>>, vector<1x1x16xf32>,
        %parallel_loop3A_620 = arith.addf %parallel_loop3A_611, %parallel_loop3A_384 : vector<16xf32>
        %parallel_loop3A_621 = arith.constant 1 : i32
        %parallel_loop3A_622 = arith.index_cast %parallel_loop3A_621 : i32 to index
        %parallel_loop3A_623 = arith.index_cast %parallel_loop3A_380 : i32 to index
        %parallel_loop3A_624 = arith.constant 48 : index
        %parallel_loop3A_625 = tpu.vector_load %arg9[%parallel_loop3A_622, %parallel_loop3A_623, %parallel_loop3A_624] {strides = array<i32>} : memref<2x128x128xf32, #tpu.memory_space<vmem>>, vector<1x1x16xf32>,
        %parallel_loop3A_626 = vector.shape_cast %parallel_loop3A_625 : vector<1x1x16xf32> to vector<16xf32>
        %parallel_loop3A_627 = vector.shape_cast %parallel_loop3A_620 : vector<16xf32> to vector<1x1x16xf32>
        tpu.vector_store %arg9[%parallel_loop3A_622, %parallel_loop3A_623, %parallel_loop3A_624], %parallel_loop3A_627 {strides = array<i32>} : memref<2x128x128xf32, #tpu.memory_space<vmem>>, vector<1x1x16xf32>,
        %parallel_loop3A_628 = arith.constant 1 : i32
        %parallel_loop3A_629 = arith.addi %parallel_loop3A_380, %parallel_loop3A_628 : i32
        %parallel_loop3A_630 = arith.index_cast %parallel_loop3A_629 : i32 to index
        %parallel_loop3A_631 = arith.constant 48 : index
        %parallel_loop3A_632 = tpu.vector_load %arg8[%parallel_loop3A_630, %parallel_loop3A_631] {strides = array<i32>} : memref<128x128xf32, #tpu.memory_space<vmem>>, vector<1x16xf32>,
        %parallel_loop3A_633 = vector.shape_cast %parallel_loop3A_632 : vector<1x16xf32> to vector<16xf32>
        %parallel_loop3A_634 = arith.addf %parallel_loop3A_633, %parallel_loop3A_445 : vector<16xf32>
        %parallel_loop3A_635 = arith.constant 1 : i32
        %parallel_loop3A_636 = arith.addi %parallel_loop3A_380, %parallel_loop3A_635 : i32
        %parallel_loop3A_637 = arith.constant 0 : i32
        %parallel_loop3A_638 = arith.index_cast %parallel_loop3A_637 : i32 to index
        %parallel_loop3A_639 = arith.index_cast %parallel_loop3A_636 : i32 to index
        %parallel_loop3A_640 = arith.constant 48 : index
        %parallel_loop3A_641 = tpu.vector_load %arg9[%parallel_loop3A_638, %parallel_loop3A_639, %parallel_loop3A_640] {strides = array<i32>} : memref<2x128x128xf32, #tpu.memory_space<vmem>>, vector<1x1x16xf32>,
        %parallel_loop3A_642 = vector.shape_cast %parallel_loop3A_641 : vector<1x1x16xf32> to vector<16xf32>
        %parallel_loop3A_643 = vector.shape_cast %parallel_loop3A_634 : vector<16xf32> to vector<1x1x16xf32>
        tpu.vector_store %arg9[%parallel_loop3A_638, %parallel_loop3A_639, %parallel_loop3A_640], %parallel_loop3A_643 {strides = array<i32>} : memref<2x128x128xf32, #tpu.memory_space<vmem>>, vector<1x1x16xf32>,
        %parallel_loop3A_644 = arith.addf %parallel_loop3A_633, %parallel_loop3A_405 : vector<16xf32>
        %parallel_loop3A_645 = arith.constant 1 : i32
        %parallel_loop3A_646 = arith.addi %parallel_loop3A_380, %parallel_loop3A_645 : i32
        %parallel_loop3A_647 = arith.constant 1 : i32
        %parallel_loop3A_648 = arith.index_cast %parallel_loop3A_647 : i32 to index
        %parallel_loop3A_649 = arith.index_cast %parallel_loop3A_646 : i32 to index
        %parallel_loop3A_650 = arith.constant 48 : index
        %parallel_loop3A_651 = tpu.vector_load %arg9[%parallel_loop3A_648, %parallel_loop3A_649, %parallel_loop3A_650] {strides = array<i32>} : memref<2x128x128xf32, #tpu.memory_space<vmem>>, vector<1x1x16xf32>,
        %parallel_loop3A_652 = vector.shape_cast %parallel_loop3A_651 : vector<1x1x16xf32> to vector<16xf32>
        %parallel_loop3A_653 = vector.shape_cast %parallel_loop3A_644 : vector<16xf32> to vector<1x1x16xf32>
        tpu.vector_store %arg9[%parallel_loop3A_648, %parallel_loop3A_649, %parallel_loop3A_650], %parallel_loop3A_653 {strides = array<i32>} : memref<2x128x128xf32, #tpu.memory_space<vmem>>, vector<1x1x16xf32>,
        %parallel_loop3A_654 = arith.index_cast %parallel_loop3A_380 : i32 to index
        %parallel_loop3A_655 = arith.constant 64 : index
        %parallel_loop3A_656 = tpu.vector_load %arg8[%parallel_loop3A_654, %parallel_loop3A_655] {strides = array<i32>} : memref<128x128xf32, #tpu.memory_space<vmem>>, vector<1x16xf32>,
        %parallel_loop3A_657 = vector.shape_cast %parallel_loop3A_656 : vector<1x16xf32> to vector<16xf32>
        %parallel_loop3A_658 = arith.addf %parallel_loop3A_657, %parallel_loop3A_409 : vector<16xf32>
        %parallel_loop3A_659 = arith.constant 0 : i32
        %parallel_loop3A_660 = arith.index_cast %parallel_loop3A_659 : i32 to index
        %parallel_loop3A_661 = arith.index_cast %parallel_loop3A_380 : i32 to index
        %parallel_loop3A_662 = arith.constant 64 : index
        %parallel_loop3A_663 = tpu.vector_load %arg9[%parallel_loop3A_660, %parallel_loop3A_661, %parallel_loop3A_662] {strides = array<i32>} : memref<2x128x128xf32, #tpu.memory_space<vmem>>, vector<1x1x16xf32>,
        %parallel_loop3A_664 = vector.shape_cast %parallel_loop3A_663 : vector<1x1x16xf32> to vector<16xf32>
        %parallel_loop3A_665 = vector.shape_cast %parallel_loop3A_658 : vector<16xf32> to vector<1x1x16xf32>
        tpu.vector_store %arg9[%parallel_loop3A_660, %parallel_loop3A_661, %parallel_loop3A_662], %parallel_loop3A_665 {strides = array<i32>} : memref<2x128x128xf32, #tpu.memory_space<vmem>>, vector<1x1x16xf32>,
        %parallel_loop3A_666 = arith.addf %parallel_loop3A_657, %parallel_loop3A_385 : vector<16xf32>
        %parallel_loop3A_667 = arith.constant 1 : i32
        %parallel_loop3A_668 = arith.index_cast %parallel_loop3A_667 : i32 to index
        %parallel_loop3A_669 = arith.index_cast %parallel_loop3A_380 : i32 to index
        %parallel_loop3A_670 = arith.constant 64 : index
        %parallel_loop3A_671 = tpu.vector_load %arg9[%parallel_loop3A_668, %parallel_loop3A_669, %parallel_loop3A_670] {strides = array<i32>} : memref<2x128x128xf32, #tpu.memory_space<vmem>>, vector<1x1x16xf32>,
        %parallel_loop3A_672 = vector.shape_cast %parallel_loop3A_671 : vector<1x1x16xf32> to vector<16xf32>
        %parallel_loop3A_673 = vector.shape_cast %parallel_loop3A_666 : vector<16xf32> to vector<1x1x16xf32>
        tpu.vector_store %arg9[%parallel_loop3A_668, %parallel_loop3A_669, %parallel_loop3A_670], %parallel_loop3A_673 {strides = array<i32>} : memref<2x128x128xf32, #tpu.memory_space<vmem>>, vector<1x1x16xf32>,
        %parallel_loop3A_674 = arith.constant 1 : i32
        %parallel_loop3A_675 = arith.addi %parallel_loop3A_380, %parallel_loop3A_674 : i32
        %parallel_loop3A_676 = arith.index_cast %parallel_loop3A_675 : i32 to index
        %parallel_loop3A_677 = arith.constant 64 : index
        %parallel_loop3A_678 = tpu.vector_load %arg8[%parallel_loop3A_676, %parallel_loop3A_677] {strides = array<i32>} : memref<128x128xf32, #tpu.memory_space<vmem>>, vector<1x16xf32>,
        %parallel_loop3A_679 = vector.shape_cast %parallel_loop3A_678 : vector<1x16xf32> to vector<16xf32>
        %parallel_loop3A_680 = arith.addf %parallel_loop3A_679, %parallel_loop3A_451 : vector<16xf32>
        %parallel_loop3A_681 = arith.constant 1 : i32
        %parallel_loop3A_682 = arith.addi %parallel_loop3A_380, %parallel_loop3A_681 : i32
        %parallel_loop3A_683 = arith.constant 0 : i32
        %parallel_loop3A_684 = arith.index_cast %parallel_loop3A_683 : i32 to index
        %parallel_loop3A_685 = arith.index_cast %parallel_loop3A_682 : i32 to index
        %parallel_loop3A_686 = arith.constant 64 : index
        %parallel_loop3A_687 = tpu.vector_load %arg9[%parallel_loop3A_684, %parallel_loop3A_685, %parallel_loop3A_686] {strides = array<i32>} : memref<2x128x128xf32, #tpu.memory_space<vmem>>, vector<1x1x16xf32>,
        %parallel_loop3A_688 = vector.shape_cast %parallel_loop3A_687 : vector<1x1x16xf32> to vector<16xf32>
        %parallel_loop3A_689 = vector.shape_cast %parallel_loop3A_680 : vector<16xf32> to vector<1x1x16xf32>
        tpu.vector_store %arg9[%parallel_loop3A_684, %parallel_loop3A_685, %parallel_loop3A_686], %parallel_loop3A_689 {strides = array<i32>} : memref<2x128x128xf32, #tpu.memory_space<vmem>>, vector<1x1x16xf32>,
        %parallel_loop3A_690 = arith.addf %parallel_loop3A_679, %parallel_loop3A_409 : vector<16xf32>
        %parallel_loop3A_691 = arith.constant 1 : i32
        %parallel_loop3A_692 = arith.addi %parallel_loop3A_380, %parallel_loop3A_691 : i32
        %parallel_loop3A_693 = arith.constant 1 : i32
        %parallel_loop3A_694 = arith.index_cast %parallel_loop3A_693 : i32 to index
        %parallel_loop3A_695 = arith.index_cast %parallel_loop3A_692 : i32 to index
        %parallel_loop3A_696 = arith.constant 64 : index
        %parallel_loop3A_697 = tpu.vector_load %arg9[%parallel_loop3A_694, %parallel_loop3A_695, %parallel_loop3A_696] {strides = array<i32>} : memref<2x128x128xf32, #tpu.memory_space<vmem>>, vector<1x1x16xf32>,
        %parallel_loop3A_698 = vector.shape_cast %parallel_loop3A_697 : vector<1x1x16xf32> to vector<16xf32>
        %parallel_loop3A_699 = vector.shape_cast %parallel_loop3A_690 : vector<16xf32> to vector<1x1x16xf32>
        tpu.vector_store %arg9[%parallel_loop3A_694, %parallel_loop3A_695, %parallel_loop3A_696], %parallel_loop3A_699 {strides = array<i32>} : memref<2x128x128xf32, #tpu.memory_space<vmem>>, vector<1x1x16xf32>,
        %parallel_loop3A_700 = arith.index_cast %parallel_loop3A_380 : i32 to index
        %parallel_loop3A_701 = arith.constant 80 : index
        %parallel_loop3A_702 = tpu.vector_load %arg8[%parallel_loop3A_700, %parallel_loop3A_701] {strides = array<i32>} : memref<128x128xf32, #tpu.memory_space<vmem>>, vector<1x16xf32>,
        %parallel_loop3A_703 = vector.shape_cast %parallel_loop3A_702 : vector<1x16xf32> to vector<16xf32>
        %parallel_loop3A_704 = arith.addf %parallel_loop3A_703, %parallel_loop3A_413 : vector<16xf32>
        %parallel_loop3A_705 = arith.constant 0 : i32
        %parallel_loop3A_706 = arith.index_cast %parallel_loop3A_705 : i32 to index
        %parallel_loop3A_707 = arith.index_cast %parallel_loop3A_380 : i32 to index
        %parallel_loop3A_708 = arith.constant 80 : index
        %parallel_loop3A_709 = tpu.vector_load %arg9[%parallel_loop3A_706, %parallel_loop3A_707, %parallel_loop3A_708] {strides = array<i32>} : memref<2x128x128xf32, #tpu.memory_space<vmem>>, vector<1x1x16xf32>,
        %parallel_loop3A_710 = vector.shape_cast %parallel_loop3A_709 : vector<1x1x16xf32> to vector<16xf32>
        %parallel_loop3A_711 = vector.shape_cast %parallel_loop3A_704 : vector<16xf32> to vector<1x1x16xf32>
        tpu.vector_store %arg9[%parallel_loop3A_706, %parallel_loop3A_707, %parallel_loop3A_708], %parallel_loop3A_711 {strides = array<i32>} : memref<2x128x128xf32, #tpu.memory_space<vmem>>, vector<1x1x16xf32>,
        %parallel_loop3A_712 = arith.addf %parallel_loop3A_703, %parallel_loop3A_386 : vector<16xf32>
        %parallel_loop3A_713 = arith.constant 1 : i32
        %parallel_loop3A_714 = arith.index_cast %parallel_loop3A_713 : i32 to index
        %parallel_loop3A_715 = arith.index_cast %parallel_loop3A_380 : i32 to index
        %parallel_loop3A_716 = arith.constant 80 : index
        %parallel_loop3A_717 = tpu.vector_load %arg9[%parallel_loop3A_714, %parallel_loop3A_715, %parallel_loop3A_716] {strides = array<i32>} : memref<2x128x128xf32, #tpu.memory_space<vmem>>, vector<1x1x16xf32>,
        %parallel_loop3A_718 = vector.shape_cast %parallel_loop3A_717 : vector<1x1x16xf32> to vector<16xf32>
        %parallel_loop3A_719 = vector.shape_cast %parallel_loop3A_712 : vector<16xf32> to vector<1x1x16xf32>
        tpu.vector_store %arg9[%parallel_loop3A_714, %parallel_loop3A_715, %parallel_loop3A_716], %parallel_loop3A_719 {strides = array<i32>} : memref<2x128x128xf32, #tpu.memory_space<vmem>>, vector<1x1x16xf32>,
        %parallel_loop3A_720 = arith.constant 1 : i32
        %parallel_loop3A_721 = arith.addi %parallel_loop3A_380, %parallel_loop3A_720 : i32
        %parallel_loop3A_722 = arith.index_cast %parallel_loop3A_721 : i32 to index
        %parallel_loop3A_723 = arith.constant 80 : index
        %parallel_loop3A_724 = tpu.vector_load %arg8[%parallel_loop3A_722, %parallel_loop3A_723] {strides = array<i32>} : memref<128x128xf32, #tpu.memory_space<vmem>>, vector<1x16xf32>,
        %parallel_loop3A_725 = vector.shape_cast %parallel_loop3A_724 : vector<1x16xf32> to vector<16xf32>
        %parallel_loop3A_726 = arith.addf %parallel_loop3A_725, %parallel_loop3A_457 : vector<16xf32>
        %parallel_loop3A_727 = arith.constant 1 : i32
        %parallel_loop3A_728 = arith.addi %parallel_loop3A_380, %parallel_loop3A_727 : i32
        %parallel_loop3A_729 = arith.constant 0 : i32
        %parallel_loop3A_730 = arith.index_cast %parallel_loop3A_729 : i32 to index
        %parallel_loop3A_731 = arith.index_cast %parallel_loop3A_728 : i32 to index
        %parallel_loop3A_732 = arith.constant 80 : index
        %parallel_loop3A_733 = tpu.vector_load %arg9[%parallel_loop3A_730, %parallel_loop3A_731, %parallel_loop3A_732] {strides = array<i32>} : memref<2x128x128xf32, #tpu.memory_space<vmem>>, vector<1x1x16xf32>,
        %parallel_loop3A_734 = vector.shape_cast %parallel_loop3A_733 : vector<1x1x16xf32> to vector<16xf32>
        %parallel_loop3A_735 = vector.shape_cast %parallel_loop3A_726 : vector<16xf32> to vector<1x1x16xf32>
        tpu.vector_store %arg9[%parallel_loop3A_730, %parallel_loop3A_731, %parallel_loop3A_732], %parallel_loop3A_735 {strides = array<i32>} : memref<2x128x128xf32, #tpu.memory_space<vmem>>, vector<1x1x16xf32>,
        %parallel_loop3A_736 = arith.addf %parallel_loop3A_725, %parallel_loop3A_413 : vector<16xf32>
        %parallel_loop3A_737 = arith.constant 1 : i32
        %parallel_loop3A_738 = arith.addi %parallel_loop3A_380, %parallel_loop3A_737 : i32
        %parallel_loop3A_739 = arith.constant 1 : i32
        %parallel_loop3A_740 = arith.index_cast %parallel_loop3A_739 : i32 to index
        %parallel_loop3A_741 = arith.index_cast %parallel_loop3A_738 : i32 to index
        %parallel_loop3A_742 = arith.constant 80 : index
        %parallel_loop3A_743 = tpu.vector_load %arg9[%parallel_loop3A_740, %parallel_loop3A_741, %parallel_loop3A_742] {strides = array<i32>} : memref<2x128x128xf32, #tpu.memory_space<vmem>>, vector<1x1x16xf32>,
        %parallel_loop3A_744 = vector.shape_cast %parallel_loop3A_743 : vector<1x1x16xf32> to vector<16xf32>
        %parallel_loop3A_745 = vector.shape_cast %parallel_loop3A_736 : vector<16xf32> to vector<1x1x16xf32>
        tpu.vector_store %arg9[%parallel_loop3A_740, %parallel_loop3A_741, %parallel_loop3A_742], %parallel_loop3A_745 {strides = array<i32>} : memref<2x128x128xf32, #tpu.memory_space<vmem>>, vector<1x1x16xf32>,
        %parallel_loop3A_746 = arith.index_cast %parallel_loop3A_380 : i32 to index
        %parallel_loop3A_747 = arith.constant 96 : index
        %parallel_loop3A_748 = tpu.vector_load %arg8[%parallel_loop3A_746, %parallel_loop3A_747] {strides = array<i32>} : memref<128x128xf32, #tpu.memory_space<vmem>>, vector<1x16xf32>,
        %parallel_loop3A_749 = vector.shape_cast %parallel_loop3A_748 : vector<1x16xf32> to vector<16xf32>
        %parallel_loop3A_750 = arith.addf %parallel_loop3A_749, %parallel_loop3A_417 : vector<16xf32>
        %parallel_loop3A_751 = arith.constant 0 : i32
        %parallel_loop3A_752 = arith.index_cast %parallel_loop3A_751 : i32 to index
        %parallel_loop3A_753 = arith.index_cast %parallel_loop3A_380 : i32 to index
        %parallel_loop3A_754 = arith.constant 96 : index
        %parallel_loop3A_755 = tpu.vector_load %arg9[%parallel_loop3A_752, %parallel_loop3A_753, %parallel_loop3A_754] {strides = array<i32>} : memref<2x128x128xf32, #tpu.memory_space<vmem>>, vector<1x1x16xf32>,
        %parallel_loop3A_756 = vector.shape_cast %parallel_loop3A_755 : vector<1x1x16xf32> to vector<16xf32>
        %parallel_loop3A_757 = vector.shape_cast %parallel_loop3A_750 : vector<16xf32> to vector<1x1x16xf32>
        tpu.vector_store %arg9[%parallel_loop3A_752, %parallel_loop3A_753, %parallel_loop3A_754], %parallel_loop3A_757 {strides = array<i32>} : memref<2x128x128xf32, #tpu.memory_space<vmem>>, vector<1x1x16xf32>,
        %parallel_loop3A_758 = arith.addf %parallel_loop3A_749, %parallel_loop3A_387 : vector<16xf32>
        %parallel_loop3A_759 = arith.constant 1 : i32
        %parallel_loop3A_760 = arith.index_cast %parallel_loop3A_759 : i32 to index
        %parallel_loop3A_761 = arith.index_cast %parallel_loop3A_380 : i32 to index
        %parallel_loop3A_762 = arith.constant 96 : index
        %parallel_loop3A_763 = tpu.vector_load %arg9[%parallel_loop3A_760, %parallel_loop3A_761, %parallel_loop3A_762] {strides = array<i32>} : memref<2x128x128xf32, #tpu.memory_space<vmem>>, vector<1x1x16xf32>,
        %parallel_loop3A_764 = vector.shape_cast %parallel_loop3A_763 : vector<1x1x16xf32> to vector<16xf32>
        %parallel_loop3A_765 = vector.shape_cast %parallel_loop3A_758 : vector<16xf32> to vector<1x1x16xf32>
        tpu.vector_store %arg9[%parallel_loop3A_760, %parallel_loop3A_761, %parallel_loop3A_762], %parallel_loop3A_765 {strides = array<i32>} : memref<2x128x128xf32, #tpu.memory_space<vmem>>, vector<1x1x16xf32>,
        %parallel_loop3A_766 = arith.constant 1 : i32
        %parallel_loop3A_767 = arith.addi %parallel_loop3A_380, %parallel_loop3A_766 : i32
        %parallel_loop3A_768 = arith.index_cast %parallel_loop3A_767 : i32 to index
        %parallel_loop3A_769 = arith.constant 96 : index
        %parallel_loop3A_770 = tpu.vector_load %arg8[%parallel_loop3A_768, %parallel_loop3A_769] {strides = array<i32>} : memref<128x128xf32, #tpu.memory_space<vmem>>, vector<1x16xf32>,
        %parallel_loop3A_771 = vector.shape_cast %parallel_loop3A_770 : vector<1x16xf32> to vector<16xf32>
        %parallel_loop3A_772 = arith.addf %parallel_loop3A_771, %parallel_loop3A_463 : vector<16xf32>
        %parallel_loop3A_773 = arith.constant 1 : i32
        %parallel_loop3A_774 = arith.addi %parallel_loop3A_380, %parallel_loop3A_773 : i32
        %parallel_loop3A_775 = arith.constant 0 : i32
        %parallel_loop3A_776 = arith.index_cast %parallel_loop3A_775 : i32 to index
        %parallel_loop3A_777 = arith.index_cast %parallel_loop3A_774 : i32 to index
        %parallel_loop3A_778 = arith.constant 96 : index
        %parallel_loop3A_779 = tpu.vector_load %arg9[%parallel_loop3A_776, %parallel_loop3A_777, %parallel_loop3A_778] {strides = array<i32>} : memref<2x128x128xf32, #tpu.memory_space<vmem>>, vector<1x1x16xf32>,
        %parallel_loop3A_780 = vector.shape_cast %parallel_loop3A_779 : vector<1x1x16xf32> to vector<16xf32>
        %parallel_loop3A_781 = vector.shape_cast %parallel_loop3A_772 : vector<16xf32> to vector<1x1x16xf32>
        tpu.vector_store %arg9[%parallel_loop3A_776, %parallel_loop3A_777, %parallel_loop3A_778], %parallel_loop3A_781 {strides = array<i32>} : memref<2x128x128xf32, #tpu.memory_space<vmem>>, vector<1x1x16xf32>,
        %parallel_loop3A_782 = arith.addf %parallel_loop3A_771, %parallel_loop3A_417 : vector<16xf32>
        %parallel_loop3A_783 = arith.constant 1 : i32
        %parallel_loop3A_784 = arith.addi %parallel_loop3A_380, %parallel_loop3A_783 : i32
        %parallel_loop3A_785 = arith.constant 1 : i32
        %parallel_loop3A_786 = arith.index_cast %parallel_loop3A_785 : i32 to index
        %parallel_loop3A_787 = arith.index_cast %parallel_loop3A_784 : i32 to index
        %parallel_loop3A_788 = arith.constant 96 : index
        %parallel_loop3A_789 = tpu.vector_load %arg9[%parallel_loop3A_786, %parallel_loop3A_787, %parallel_loop3A_788] {strides = array<i32>} : memref<2x128x128xf32, #tpu.memory_space<vmem>>, vector<1x1x16xf32>,
        %parallel_loop3A_790 = vector.shape_cast %parallel_loop3A_789 : vector<1x1x16xf32> to vector<16xf32>
        %parallel_loop3A_791 = vector.shape_cast %parallel_loop3A_782 : vector<16xf32> to vector<1x1x16xf32>
        tpu.vector_store %arg9[%parallel_loop3A_786, %parallel_loop3A_787, %parallel_loop3A_788], %parallel_loop3A_791 {strides = array<i32>} : memref<2x128x128xf32, #tpu.memory_space<vmem>>, vector<1x1x16xf32>,
        %parallel_loop3A_792 = arith.index_cast %parallel_loop3A_380 : i32 to index
        %parallel_loop3A_793 = arith.constant 112 : index
        %parallel_loop3A_794 = tpu.vector_load %arg8[%parallel_loop3A_792, %parallel_loop3A_793] {strides = array<i32>} : memref<128x128xf32, #tpu.memory_space<vmem>>, vector<1x16xf32>,
        %parallel_loop3A_795 = vector.shape_cast %parallel_loop3A_794 : vector<1x16xf32> to vector<16xf32>
        %parallel_loop3A_796 = arith.addf %parallel_loop3A_795, %parallel_loop3A_421 : vector<16xf32>
        %parallel_loop3A_797 = arith.constant 0 : i32
        %parallel_loop3A_798 = arith.index_cast %parallel_loop3A_797 : i32 to index
        %parallel_loop3A_799 = arith.index_cast %parallel_loop3A_380 : i32 to index
        %parallel_loop3A_800 = arith.constant 112 : index
        %parallel_loop3A_801 = tpu.vector_load %arg9[%parallel_loop3A_798, %parallel_loop3A_799, %parallel_loop3A_800] {strides = array<i32>} : memref<2x128x128xf32, #tpu.memory_space<vmem>>, vector<1x1x16xf32>,
        %parallel_loop3A_802 = vector.shape_cast %parallel_loop3A_801 : vector<1x1x16xf32> to vector<16xf32>
        %parallel_loop3A_803 = vector.shape_cast %parallel_loop3A_796 : vector<16xf32> to vector<1x1x16xf32>
        tpu.vector_store %arg9[%parallel_loop3A_798, %parallel_loop3A_799, %parallel_loop3A_800], %parallel_loop3A_803 {strides = array<i32>} : memref<2x128x128xf32, #tpu.memory_space<vmem>>, vector<1x1x16xf32>,
        %parallel_loop3A_804 = arith.addf %parallel_loop3A_795, %parallel_loop3A_388 : vector<16xf32>
        %parallel_loop3A_805 = arith.constant 1 : i32
        %parallel_loop3A_806 = arith.index_cast %parallel_loop3A_805 : i32 to index
        %parallel_loop3A_807 = arith.index_cast %parallel_loop3A_380 : i32 to index
        %parallel_loop3A_808 = arith.constant 112 : index
        %parallel_loop3A_809 = tpu.vector_load %arg9[%parallel_loop3A_806, %parallel_loop3A_807, %parallel_loop3A_808] {strides = array<i32>} : memref<2x128x128xf32, #tpu.memory_space<vmem>>, vector<1x1x16xf32>,
        %parallel_loop3A_810 = vector.shape_cast %parallel_loop3A_809 : vector<1x1x16xf32> to vector<16xf32>
        %parallel_loop3A_811 = vector.shape_cast %parallel_loop3A_804 : vector<16xf32> to vector<1x1x16xf32>
        tpu.vector_store %arg9[%parallel_loop3A_806, %parallel_loop3A_807, %parallel_loop3A_808], %parallel_loop3A_811 {strides = array<i32>} : memref<2x128x128xf32, #tpu.memory_space<vmem>>, vector<1x1x16xf32>,
        %parallel_loop3A_812 = arith.constant 1 : i32
        %parallel_loop3A_813 = arith.addi %parallel_loop3A_380, %parallel_loop3A_812 : i32
        %parallel_loop3A_814 = arith.index_cast %parallel_loop3A_813 : i32 to index
        %parallel_loop3A_815 = arith.constant 112 : index
        %parallel_loop3A_816 = tpu.vector_load %arg8[%parallel_loop3A_814, %parallel_loop3A_815] {strides = array<i32>} : memref<128x128xf32, #tpu.memory_space<vmem>>, vector<1x16xf32>,
        %parallel_loop3A_817 = vector.shape_cast %parallel_loop3A_816 : vector<1x16xf32> to vector<16xf32>
        %parallel_loop3A_818 = arith.addf %parallel_loop3A_817, %parallel_loop3A_469 : vector<16xf32>
        %parallel_loop3A_819 = arith.constant 1 : i32
        %parallel_loop3A_820 = arith.addi %parallel_loop3A_380, %parallel_loop3A_819 : i32
        %parallel_loop3A_821 = arith.constant 0 : i32
        %parallel_loop3A_822 = arith.index_cast %parallel_loop3A_821 : i32 to index
        %parallel_loop3A_823 = arith.index_cast %parallel_loop3A_820 : i32 to index
        %parallel_loop3A_824 = arith.constant 112 : index
        %parallel_loop3A_825 = tpu.vector_load %arg9[%parallel_loop3A_822, %parallel_loop3A_823, %parallel_loop3A_824] {strides = array<i32>} : memref<2x128x128xf32, #tpu.memory_space<vmem>>, vector<1x1x16xf32>,
        %parallel_loop3A_826 = vector.shape_cast %parallel_loop3A_825 : vector<1x1x16xf32> to vector<16xf32>
        %parallel_loop3A_827 = vector.shape_cast %parallel_loop3A_818 : vector<16xf32> to vector<1x1x16xf32>
        tpu.vector_store %arg9[%parallel_loop3A_822, %parallel_loop3A_823, %parallel_loop3A_824], %parallel_loop3A_827 {strides = array<i32>} : memref<2x128x128xf32, #tpu.memory_space<vmem>>, vector<1x1x16xf32>,
        %parallel_loop3A_828 = arith.addf %parallel_loop3A_817, %parallel_loop3A_421 : vector<16xf32>
        %parallel_loop3A_829 = arith.constant 1 : i32
        %parallel_loop3A_830 = arith.addi %parallel_loop3A_380, %parallel_loop3A_829 : i32
        %parallel_loop3A_831 = arith.constant 1 : i32
        %parallel_loop3A_832 = arith.index_cast %parallel_loop3A_831 : i32 to index
        %parallel_loop3A_833 = arith.index_cast %parallel_loop3A_830 : i32 to index
        %parallel_loop3A_834 = arith.constant 112 : index
        %parallel_loop3A_835 = tpu.vector_load %arg9[%parallel_loop3A_832, %parallel_loop3A_833, %parallel_loop3A_834] {strides = array<i32>} : memref<2x128x128xf32, #tpu.memory_space<vmem>>, vector<1x1x16xf32>,
        %parallel_loop3A_836 = vector.shape_cast %parallel_loop3A_835 : vector<1x1x16xf32> to vector<16xf32>
        %parallel_loop3A_837 = vector.shape_cast %parallel_loop3A_828 : vector<16xf32> to vector<1x1x16xf32>
        tpu.vector_store %arg9[%parallel_loop3A_832, %parallel_loop3A_833, %parallel_loop3A_834], %parallel_loop3A_837 {strides = array<i32>} : memref<2x128x128xf32, #tpu.memory_space<vmem>>, vector<1x1x16xf32>,
        scf.yield %parallel_loop3A_427, %parallel_loop3A_433, %parallel_loop3A_439, %parallel_loop3A_445, %parallel_loop3A_451, %parallel_loop3A_457, %parallel_loop3A_463, %parallel_loop3A_469 : vector<16xf32>, vector<16xf32>, vector<16xf32>, vector<16xf32>, vector<16xf32>, vector<16xf32>, vector<16xf32>, vector<16xf32>
      } {sc.loop_unroll_factor = 2 : i64, sc.parallel_access}
      %add3A_301 = arith.addi %mul3A_20, %mul3A_246 : i32
      %dma_start3A_302 = arith.constant 0 : i32
      %dma_start3A_303 = arith.constant 0 : i32
      %dma_start3A_304 = tpu.memref_slice %arg4[%add3A_301, %rem3A_18, %dma_start3A_302, %dma_start3A_303] : memref<512x4x128x128xf32, #tpu.memory_space<hbm>> -> memref<2x1x128x128xf32, #tpu.memory_space<hbm>>
      %dma_start3A_305 = tpu.memref_squeeze %dma_start3A_304 : memref<2x1x128x128xf32, #tpu.memory_space<hbm>> -> memref<2x128x128xf32, #tpu.memory_space<hbm>>
      %dma_start3A_306 = arith.constant 0 : i32
      %dma_start3A_307 = arith.constant 0 : i32
      %dma_start3A_308 = tpu.memref_slice %arg4[%add3A_301, %rem3A_18, %dma_start3A_306, %dma_start3A_307] : memref<512x4x128x128xf32, #tpu.memory_space<hbm>> -> memref<2x1x128x128xf32, #tpu.memory_space<hbm>>
      %dma_start3A_309 = tpu.memref_squeeze %dma_start3A_308 : memref<2x1x128x128xf32, #tpu.memory_space<hbm>> -> memref<2x128x128xf32, #tpu.memory_space<hbm>>
      tpu.enqueue_dma source(%arg9 : memref<2x128x128xf32, #tpu.memory_space<vmem>>) target(%dma_start3A_309 : memref<2x128x128xf32, #tpu.memory_space<hbm>>) target_semaphore(%arg11 : memref<!tpu.dma_semaphore, #tpu.memory_space<semaphore_mem>>)
      %add3A_310 = arith.constant 2 : i32
      %add3A_311 = arith.addi %mul3A_246, %add3A_310 : i32
      %gt3A_312 = arith.constant 0 : i32
      %gt3A_313 = arith.cmpi sgt, %scan3A_244, %gt3A_312 : i32
      %convert_element_type3A_314 = arith.extui %gt3A_313 : i1 to i32
      %cond3A_315 = arith.constant 0 : i32
      %cond3A_316 = arith.cmpi ne, %convert_element_type3A_314, %cond3A_315 : i32
      scf.if %cond3A_316 {
        %add3A_380 = arith.addi %mul3A_20, %add3A_311 : i32
        %dma_wait3A_381 = arith.constant 0 : i32
        %dma_wait3A_382 = arith.constant 0 : i32
        %dma_wait3A_383 = tpu.memref_slice %arg4[%add3A_380, %rem3A_18, %dma_wait3A_381, %dma_wait3A_382] : memref<512x4x128x128xf32, #tpu.memory_space<hbm>> -> memref<2x1x128x128xf32, #tpu.memory_space<hbm>>
        %dma_wait3A_384 = tpu.memref_squeeze %dma_wait3A_383 : memref<2x1x128x128xf32, #tpu.memory_space<hbm>> -> memref<2x128x128xf32, #tpu.memory_space<hbm>>
        %dma_wait3A_385 = arith.constant 0 : i32
        %dma_wait3A_386 = arith.constant 0 : i32
        %dma_wait3A_387 = tpu.memref_slice %arg4[%add3A_380, %rem3A_18, %dma_wait3A_385, %dma_wait3A_386] : memref<512x4x128x128xf32, #tpu.memory_space<hbm>> -> memref<2x1x128x128xf32, #tpu.memory_space<hbm>>
        %dma_wait3A_388 = tpu.memref_squeeze %dma_wait3A_387 : memref<2x1x128x128xf32, #tpu.memory_space<hbm>> -> memref<2x128x128xf32, #tpu.memory_space<hbm>>
        tpu.wait_dma2 semaphore(%arg12 : memref<!tpu.dma_semaphore, #tpu.memory_space<semaphore_mem>>) src(%arg10 : memref<2x128x128xf32, #tpu.memory_space<vmem>>) dst(%dma_wait3A_388 : memref<2x128x128xf32, #tpu.memory_space<hbm>>)
      } else {
      }
      %sub3A_317 = arith.constant 63 : i32
      %sub3A_318 = arith.subi %sub3A_317, %add3A_311 : i32
      %sub3A_319 = arith.constant 1 : i32
      %sub3A_320 = arith.subi %sub3A_318, %sub3A_319 : i32
      %get3A_321 = arith.index_cast %sub3A_320 : i32 to index
      %get3A_322 = arith.constant 0 : index
      %get3A_323 = tpu.vector_load %arg7[%get3A_321, %get3A_322] {strides = array<i32>} : memref<192x128xf32, #tpu.memory_space<vmem>>, vector<1x16xf32>,
      %get3A_324 = vector.shape_cast %get3A_323 : vector<1x16xf32> to vector<16xf32>
      %sub3A_325 = arith.constant 1 : i32
      %sub3A_326 = arith.subi %sub3A_318, %sub3A_325 : i32
      %get3A_327 = arith.index_cast %sub3A_326 : i32 to index
      %get3A_328 = arith.constant 16 : index
      %get3A_329 = tpu.vector_load %arg7[%get3A_327, %get3A_328] {strides = array<i32>} : memref<192x128xf32, #tpu.memory_space<vmem>>, vector<1x16xf32>,
      %get3A_330 = vector.shape_cast %get3A_329 : vector<1x16xf32> to vector<16xf32>
      %sub3A_331 = arith.constant 1 : i32
      %sub3A_332 = arith.subi %sub3A_318, %sub3A_331 : i32
      %get3A_333 = arith.index_cast %sub3A_332 : i32 to index
      %get3A_334 = arith.constant 32 : index
      %get3A_335 = tpu.vector_load %arg7[%get3A_333, %get3A_334] {strides = array<i32>} : memref<192x128xf32, #tpu.memory_space<vmem>>, vector<1x16xf32>,
      %get3A_336 = vector.shape_cast %get3A_335 : vector<1x16xf32> to vector<16xf32>
      %sub3A_337 = arith.constant 1 : i32
      %sub3A_338 = arith.subi %sub3A_318, %sub3A_337 : i32
      %get3A_339 = arith.index_cast %sub3A_338 : i32 to index
      %get3A_340 = arith.constant 48 : index
      %get3A_341 = tpu.vector_load %arg7[%get3A_339, %get3A_340] {strides = array<i32>} : memref<192x128xf32, #tpu.memory_space<vmem>>, vector<1x16xf32>,
      %get3A_342 = vector.shape_cast %get3A_341 : vector<1x16xf32> to vector<16xf32>
      %sub3A_343 = arith.constant 1 : i32
      %sub3A_344 = arith.subi %sub3A_318, %sub3A_343 : i32
      %get3A_345 = arith.index_cast %sub3A_344 : i32 to index
      %get3A_346 = arith.constant 64 : index
      %get3A_347 = tpu.vector_load %arg7[%get3A_345, %get3A_346] {strides = array<i32>} : memref<192x128xf32, #tpu.memory_space<vmem>>, vector<1x16xf32>,
      %get3A_348 = vector.shape_cast %get3A_347 : vector<1x16xf32> to vector<16xf32>
      %sub3A_349 = arith.constant 1 : i32
      %sub3A_350 = arith.subi %sub3A_318, %sub3A_349 : i32
      %get3A_351 = arith.index_cast %sub3A_350 : i32 to index
      %get3A_352 = arith.constant 80 : index
      %get3A_353 = tpu.vector_load %arg7[%get3A_351, %get3A_352] {strides = array<i32>} : memref<192x128xf32, #tpu.memory_space<vmem>>, vector<1x16xf32>,
      %get3A_354 = vector.shape_cast %get3A_353 : vector<1x16xf32> to vector<16xf32>
      %sub3A_355 = arith.constant 1 : i32
      %sub3A_356 = arith.subi %sub3A_318, %sub3A_355 : i32
      %get3A_357 = arith.index_cast %sub3A_356 : i32 to index
      %get3A_358 = arith.constant 96 : index
      %get3A_359 = tpu.vector_load %arg7[%get3A_357, %get3A_358] {strides = array<i32>} : memref<192x128xf32, #tpu.memory_space<vmem>>, vector<1x16xf32>,
      %get3A_360 = vector.shape_cast %get3A_359 : vector<1x16xf32> to vector<16xf32>
      %sub3A_361 = arith.constant 1 : i32
      %sub3A_362 = arith.subi %sub3A_318, %sub3A_361 : i32
      %get3A_363 = arith.index_cast %sub3A_362 : i32 to index
      %get3A_364 = arith.constant 112 : index
      %get3A_365 = tpu.vector_load %arg7[%get3A_363, %get3A_364] {strides = array<i32>} : memref<192x128xf32, #tpu.memory_space<vmem>>, vector<1x16xf32>,
      %get3A_366 = vector.shape_cast %get3A_365 : vector<1x16xf32> to vector<16xf32>
      %parallel_loop3A_367 = arith.constant 0 : i32
      %parallel_loop3A_368 = arith.constant 128 : i32
      %parallel_loop3A_369 = arith.constant 2 : i32
      %parallel_loop3A_370:8 = scf.for %parallel_loop3A_380 = %parallel_loop3A_367 to %parallel_loop3A_368 step %parallel_loop3A_369 iter_args(%parallel_loop3A_381 = %get3A_324, %parallel_loop3A_382 = %get3A_330, %parallel_loop3A_383 = %get3A_336, %parallel_loop3A_384 = %get3A_342, %parallel_loop3A_385 = %get3A_348, %parallel_loop3A_386 = %get3A_354, %parallel_loop3A_387 = %get3A_360, %parallel_loop3A_388 = %get3A_366) -> (vector<16xf32>, vector<16xf32>, vector<16xf32>, vector<16xf32>, vector<16xf32>, vector<16xf32>, vector<16xf32>, vector<16xf32>)  : i32 {
        %parallel_loop3A_389 = arith.addi %sub3A_318, %parallel_loop3A_380 : i32
        %parallel_loop3A_390 = arith.index_cast %parallel_loop3A_389 : i32 to index
        %parallel_loop3A_391 = arith.constant 0 : index
        %parallel_loop3A_392 = tpu.vector_load %arg7[%parallel_loop3A_390, %parallel_loop3A_391] {strides = array<i32>} : memref<192x128xf32, #tpu.memory_space<vmem>>, vector<1x16xf32>,
        %parallel_loop3A_393 = vector.shape_cast %parallel_loop3A_392 : vector<1x16xf32> to vector<16xf32>
        %parallel_loop3A_394 = arith.index_cast %parallel_loop3A_389 : i32 to index
        %parallel_loop3A_395 = arith.constant 16 : index
        %parallel_loop3A_396 = tpu.vector_load %arg7[%parallel_loop3A_394, %parallel_loop3A_395] {strides = array<i32>} : memref<192x128xf32, #tpu.memory_space<vmem>>, vector<1x16xf32>,
        %parallel_loop3A_397 = vector.shape_cast %parallel_loop3A_396 : vector<1x16xf32> to vector<16xf32>
        %parallel_loop3A_398 = arith.index_cast %parallel_loop3A_389 : i32 to index
        %parallel_loop3A_399 = arith.constant 32 : index
        %parallel_loop3A_400 = tpu.vector_load %arg7[%parallel_loop3A_398, %parallel_loop3A_399] {strides = array<i32>} : memref<192x128xf32, #tpu.memory_space<vmem>>, vector<1x16xf32>,
        %parallel_loop3A_401 = vector.shape_cast %parallel_loop3A_400 : vector<1x16xf32> to vector<16xf32>
        %parallel_loop3A_402 = arith.index_cast %parallel_loop3A_389 : i32 to index
        %parallel_loop3A_403 = arith.constant 48 : index
        %parallel_loop3A_404 = tpu.vector_load %arg7[%parallel_loop3A_402, %parallel_loop3A_403] {strides = array<i32>} : memref<192x128xf32, #tpu.memory_space<vmem>>, vector<1x16xf32>,
        %parallel_loop3A_405 = vector.shape_cast %parallel_loop3A_404 : vector<1x16xf32> to vector<16xf32>
        %parallel_loop3A_406 = arith.index_cast %parallel_loop3A_389 : i32 to index
        %parallel_loop3A_407 = arith.constant 64 : index
        %parallel_loop3A_408 = tpu.vector_load %arg7[%parallel_loop3A_406, %parallel_loop3A_407] {strides = array<i32>} : memref<192x128xf32, #tpu.memory_space<vmem>>, vector<1x16xf32>,
        %parallel_loop3A_409 = vector.shape_cast %parallel_loop3A_408 : vector<1x16xf32> to vector<16xf32>
        %parallel_loop3A_410 = arith.index_cast %parallel_loop3A_389 : i32 to index
        %parallel_loop3A_411 = arith.constant 80 : index
        %parallel_loop3A_412 = tpu.vector_load %arg7[%parallel_loop3A_410, %parallel_loop3A_411] {strides = array<i32>} : memref<192x128xf32, #tpu.memory_space<vmem>>, vector<1x16xf32>,
        %parallel_loop3A_413 = vector.shape_cast %parallel_loop3A_412 : vector<1x16xf32> to vector<16xf32>
        %parallel_loop3A_414 = arith.index_cast %parallel_loop3A_389 : i32 to index
        %parallel_loop3A_415 = arith.constant 96 : index
        %parallel_loop3A_416 = tpu.vector_load %arg7[%parallel_loop3A_414, %parallel_loop3A_415] {strides = array<i32>} : memref<192x128xf32, #tpu.memory_space<vmem>>, vector<1x16xf32>,
        %parallel_loop3A_417 = vector.shape_cast %parallel_loop3A_416 : vector<1x16xf32> to vector<16xf32>
        %parallel_loop3A_418 = arith.index_cast %parallel_loop3A_389 : i32 to index
        %parallel_loop3A_419 = arith.constant 112 : index
        %parallel_loop3A_420 = tpu.vector_load %arg7[%parallel_loop3A_418, %parallel_loop3A_419] {strides = array<i32>} : memref<192x128xf32, #tpu.memory_space<vmem>>, vector<1x16xf32>,
        %parallel_loop3A_421 = vector.shape_cast %parallel_loop3A_420 : vector<1x16xf32> to vector<16xf32>
        %parallel_loop3A_422 = arith.constant 1 : i32
        %parallel_loop3A_423 = arith.addi %parallel_loop3A_389, %parallel_loop3A_422 : i32
        %parallel_loop3A_424 = arith.index_cast %parallel_loop3A_423 : i32 to index
        %parallel_loop3A_425 = arith.constant 0 : index
        %parallel_loop3A_426 = tpu.vector_load %arg7[%parallel_loop3A_424, %parallel_loop3A_425] {strides = array<i32>} : memref<192x128xf32, #tpu.memory_space<vmem>>, vector<1x16xf32>,
        %parallel_loop3A_427 = vector.shape_cast %parallel_loop3A_426 : vector<1x16xf32> to vector<16xf32>
        %parallel_loop3A_428 = arith.constant 1 : i32
        %parallel_loop3A_429 = arith.addi %parallel_loop3A_389, %parallel_loop3A_428 : i32
        %parallel_loop3A_430 = arith.index_cast %parallel_loop3A_429 : i32 to index
        %parallel_loop3A_431 = arith.constant 16 : index
        %parallel_loop3A_432 = tpu.vector_load %arg7[%parallel_loop3A_430, %parallel_loop3A_431] {strides = array<i32>} : memref<192x128xf32, #tpu.memory_space<vmem>>, vector<1x16xf32>,
        %parallel_loop3A_433 = vector.shape_cast %parallel_loop3A_432 : vector<1x16xf32> to vector<16xf32>
        %parallel_loop3A_434 = arith.constant 1 : i32
        %parallel_loop3A_435 = arith.addi %parallel_loop3A_389, %parallel_loop3A_434 : i32
        %parallel_loop3A_436 = arith.index_cast %parallel_loop3A_435 : i32 to index
        %parallel_loop3A_437 = arith.constant 32 : index
        %parallel_loop3A_438 = tpu.vector_load %arg7[%parallel_loop3A_436, %parallel_loop3A_437] {strides = array<i32>} : memref<192x128xf32, #tpu.memory_space<vmem>>, vector<1x16xf32>,
        %parallel_loop3A_439 = vector.shape_cast %parallel_loop3A_438 : vector<1x16xf32> to vector<16xf32>
        %parallel_loop3A_440 = arith.constant 1 : i32
        %parallel_loop3A_441 = arith.addi %parallel_loop3A_389, %parallel_loop3A_440 : i32
        %parallel_loop3A_442 = arith.index_cast %parallel_loop3A_441 : i32 to index
        %parallel_loop3A_443 = arith.constant 48 : index
        %parallel_loop3A_444 = tpu.vector_load %arg7[%parallel_loop3A_442, %parallel_loop3A_443] {strides = array<i32>} : memref<192x128xf32, #tpu.memory_space<vmem>>, vector<1x16xf32>,
        %parallel_loop3A_445 = vector.shape_cast %parallel_loop3A_444 : vector<1x16xf32> to vector<16xf32>
        %parallel_loop3A_446 = arith.constant 1 : i32
        %parallel_loop3A_447 = arith.addi %parallel_loop3A_389, %parallel_loop3A_446 : i32
        %parallel_loop3A_448 = arith.index_cast %parallel_loop3A_447 : i32 to index
        %parallel_loop3A_449 = arith.constant 64 : index
        %parallel_loop3A_450 = tpu.vector_load %arg7[%parallel_loop3A_448, %parallel_loop3A_449] {strides = array<i32>} : memref<192x128xf32, #tpu.memory_space<vmem>>, vector<1x16xf32>,
        %parallel_loop3A_451 = vector.shape_cast %parallel_loop3A_450 : vector<1x16xf32> to vector<16xf32>
        %parallel_loop3A_452 = arith.constant 1 : i32
        %parallel_loop3A_453 = arith.addi %parallel_loop3A_389, %parallel_loop3A_452 : i32
        %parallel_loop3A_454 = arith.index_cast %parallel_loop3A_453 : i32 to index
        %parallel_loop3A_455 = arith.constant 80 : index
        %parallel_loop3A_456 = tpu.vector_load %arg7[%parallel_loop3A_454, %parallel_loop3A_455] {strides = array<i32>} : memref<192x128xf32, #tpu.memory_space<vmem>>, vector<1x16xf32>,
        %parallel_loop3A_457 = vector.shape_cast %parallel_loop3A_456 : vector<1x16xf32> to vector<16xf32>
        %parallel_loop3A_458 = arith.constant 1 : i32
        %parallel_loop3A_459 = arith.addi %parallel_loop3A_389, %parallel_loop3A_458 : i32
        %parallel_loop3A_460 = arith.index_cast %parallel_loop3A_459 : i32 to index
        %parallel_loop3A_461 = arith.constant 96 : index
        %parallel_loop3A_462 = tpu.vector_load %arg7[%parallel_loop3A_460, %parallel_loop3A_461] {strides = array<i32>} : memref<192x128xf32, #tpu.memory_space<vmem>>, vector<1x16xf32>,
        %parallel_loop3A_463 = vector.shape_cast %parallel_loop3A_462 : vector<1x16xf32> to vector<16xf32>
        %parallel_loop3A_464 = arith.constant 1 : i32
        %parallel_loop3A_465 = arith.addi %parallel_loop3A_389, %parallel_loop3A_464 : i32
        %parallel_loop3A_466 = arith.index_cast %parallel_loop3A_465 : i32 to index
        %parallel_loop3A_467 = arith.constant 112 : index
        %parallel_loop3A_468 = tpu.vector_load %arg7[%parallel_loop3A_466, %parallel_loop3A_467] {strides = array<i32>} : memref<192x128xf32, #tpu.memory_space<vmem>>, vector<1x16xf32>,
        %parallel_loop3A_469 = vector.shape_cast %parallel_loop3A_468 : vector<1x16xf32> to vector<16xf32>
        %parallel_loop3A_470 = arith.index_cast %parallel_loop3A_380 : i32 to index
        %parallel_loop3A_471 = arith.constant 0 : index
        %parallel_loop3A_472 = tpu.vector_load %arg8[%parallel_loop3A_470, %parallel_loop3A_471] {strides = array<i32>} : memref<128x128xf32, #tpu.memory_space<vmem>>, vector<1x16xf32>,
        %parallel_loop3A_473 = vector.shape_cast %parallel_loop3A_472 : vector<1x16xf32> to vector<16xf32>
        %parallel_loop3A_474 = arith.addf %parallel_loop3A_473, %parallel_loop3A_393 : vector<16xf32>
        %parallel_loop3A_475 = arith.constant 0 : i32
        %parallel_loop3A_476 = arith.index_cast %parallel_loop3A_475 : i32 to index
        %parallel_loop3A_477 = arith.index_cast %parallel_loop3A_380 : i32 to index
        %parallel_loop3A_478 = arith.constant 0 : index
        %parallel_loop3A_479 = tpu.vector_load %arg10[%parallel_loop3A_476, %parallel_loop3A_477, %parallel_loop3A_478] {strides = array<i32>} : memref<2x128x128xf32, #tpu.memory_space<vmem>>, vector<1x1x16xf32>,
        %parallel_loop3A_480 = vector.shape_cast %parallel_loop3A_479 : vector<1x1x16xf32> to vector<16xf32>
        %parallel_loop3A_481 = vector.shape_cast %parallel_loop3A_474 : vector<16xf32> to vector<1x1x16xf32>
        tpu.vector_store %arg10[%parallel_loop3A_476, %parallel_loop3A_477, %parallel_loop3A_478], %parallel_loop3A_481 {strides = array<i32>} : memref<2x128x128xf32, #tpu.memory_space<vmem>>, vector<1x1x16xf32>,
        %parallel_loop3A_482 = arith.addf %parallel_loop3A_473, %parallel_loop3A_381 : vector<16xf32>
        %parallel_loop3A_483 = arith.constant 1 : i32
        %parallel_loop3A_484 = arith.index_cast %parallel_loop3A_483 : i32 to index
        %parallel_loop3A_485 = arith.index_cast %parallel_loop3A_380 : i32 to index
        %parallel_loop3A_486 = arith.constant 0 : index
        %parallel_loop3A_487 = tpu.vector_load %arg10[%parallel_loop3A_484, %parallel_loop3A_485, %parallel_loop3A_486] {strides = array<i32>} : memref<2x128x128xf32, #tpu.memory_space<vmem>>, vector<1x1x16xf32>,
        %parallel_loop3A_488 = vector.shape_cast %parallel_loop3A_487 : vector<1x1x16xf32> to vector<16xf32>
        %parallel_loop3A_489 = vector.shape_cast %parallel_loop3A_482 : vector<16xf32> to vector<1x1x16xf32>
        tpu.vector_store %arg10[%parallel_loop3A_484, %parallel_loop3A_485, %parallel_loop3A_486], %parallel_loop3A_489 {strides = array<i32>} : memref<2x128x128xf32, #tpu.memory_space<vmem>>, vector<1x1x16xf32>,
        %parallel_loop3A_490 = arith.constant 1 : i32
        %parallel_loop3A_491 = arith.addi %parallel_loop3A_380, %parallel_loop3A_490 : i32
        %parallel_loop3A_492 = arith.index_cast %parallel_loop3A_491 : i32 to index
        %parallel_loop3A_493 = arith.constant 0 : index
        %parallel_loop3A_494 = tpu.vector_load %arg8[%parallel_loop3A_492, %parallel_loop3A_493] {strides = array<i32>} : memref<128x128xf32, #tpu.memory_space<vmem>>, vector<1x16xf32>,
        %parallel_loop3A_495 = vector.shape_cast %parallel_loop3A_494 : vector<1x16xf32> to vector<16xf32>
        %parallel_loop3A_496 = arith.addf %parallel_loop3A_495, %parallel_loop3A_427 : vector<16xf32>
        %parallel_loop3A_497 = arith.constant 1 : i32
        %parallel_loop3A_498 = arith.addi %parallel_loop3A_380, %parallel_loop3A_497 : i32
        %parallel_loop3A_499 = arith.constant 0 : i32
        %parallel_loop3A_500 = arith.index_cast %parallel_loop3A_499 : i32 to index
        %parallel_loop3A_501 = arith.index_cast %parallel_loop3A_498 : i32 to index
        %parallel_loop3A_502 = arith.constant 0 : index
        %parallel_loop3A_503 = tpu.vector_load %arg10[%parallel_loop3A_500, %parallel_loop3A_501, %parallel_loop3A_502] {strides = array<i32>} : memref<2x128x128xf32, #tpu.memory_space<vmem>>, vector<1x1x16xf32>,
        %parallel_loop3A_504 = vector.shape_cast %parallel_loop3A_503 : vector<1x1x16xf32> to vector<16xf32>
        %parallel_loop3A_505 = vector.shape_cast %parallel_loop3A_496 : vector<16xf32> to vector<1x1x16xf32>
        tpu.vector_store %arg10[%parallel_loop3A_500, %parallel_loop3A_501, %parallel_loop3A_502], %parallel_loop3A_505 {strides = array<i32>} : memref<2x128x128xf32, #tpu.memory_space<vmem>>, vector<1x1x16xf32>,
        %parallel_loop3A_506 = arith.addf %parallel_loop3A_495, %parallel_loop3A_393 : vector<16xf32>
        %parallel_loop3A_507 = arith.constant 1 : i32
        %parallel_loop3A_508 = arith.addi %parallel_loop3A_380, %parallel_loop3A_507 : i32
        %parallel_loop3A_509 = arith.constant 1 : i32
        %parallel_loop3A_510 = arith.index_cast %parallel_loop3A_509 : i32 to index
        %parallel_loop3A_511 = arith.index_cast %parallel_loop3A_508 : i32 to index
        %parallel_loop3A_512 = arith.constant 0 : index
        %parallel_loop3A_513 = tpu.vector_load %arg10[%parallel_loop3A_510, %parallel_loop3A_511, %parallel_loop3A_512] {strides = array<i32>} : memref<2x128x128xf32, #tpu.memory_space<vmem>>, vector<1x1x16xf32>,
        %parallel_loop3A_514 = vector.shape_cast %parallel_loop3A_513 : vector<1x1x16xf32> to vector<16xf32>
        %parallel_loop3A_515 = vector.shape_cast %parallel_loop3A_506 : vector<16xf32> to vector<1x1x16xf32>
        tpu.vector_store %arg10[%parallel_loop3A_510, %parallel_loop3A_511, %parallel_loop3A_512], %parallel_loop3A_515 {strides = array<i32>} : memref<2x128x128xf32, #tpu.memory_space<vmem>>, vector<1x1x16xf32>,
        %parallel_loop3A_516 = arith.index_cast %parallel_loop3A_380 : i32 to index
        %parallel_loop3A_517 = arith.constant 16 : index
        %parallel_loop3A_518 = tpu.vector_load %arg8[%parallel_loop3A_516, %parallel_loop3A_517] {strides = array<i32>} : memref<128x128xf32, #tpu.memory_space<vmem>>, vector<1x16xf32>,
        %parallel_loop3A_519 = vector.shape_cast %parallel_loop3A_518 : vector<1x16xf32> to vector<16xf32>
        %parallel_loop3A_520 = arith.addf %parallel_loop3A_519, %parallel_loop3A_397 : vector<16xf32>
        %parallel_loop3A_521 = arith.constant 0 : i32
        %parallel_loop3A_522 = arith.index_cast %parallel_loop3A_521 : i32 to index
        %parallel_loop3A_523 = arith.index_cast %parallel_loop3A_380 : i32 to index
        %parallel_loop3A_524 = arith.constant 16 : index
        %parallel_loop3A_525 = tpu.vector_load %arg10[%parallel_loop3A_522, %parallel_loop3A_523, %parallel_loop3A_524] {strides = array<i32>} : memref<2x128x128xf32, #tpu.memory_space<vmem>>, vector<1x1x16xf32>,
        %parallel_loop3A_526 = vector.shape_cast %parallel_loop3A_525 : vector<1x1x16xf32> to vector<16xf32>
        %parallel_loop3A_527 = vector.shape_cast %parallel_loop3A_520 : vector<16xf32> to vector<1x1x16xf32>
        tpu.vector_store %arg10[%parallel_loop3A_522, %parallel_loop3A_523, %parallel_loop3A_524], %parallel_loop3A_527 {strides = array<i32>} : memref<2x128x128xf32, #tpu.memory_space<vmem>>, vector<1x1x16xf32>,
        %parallel_loop3A_528 = arith.addf %parallel_loop3A_519, %parallel_loop3A_382 : vector<16xf32>
        %parallel_loop3A_529 = arith.constant 1 : i32
        %parallel_loop3A_530 = arith.index_cast %parallel_loop3A_529 : i32 to index
        %parallel_loop3A_531 = arith.index_cast %parallel_loop3A_380 : i32 to index
        %parallel_loop3A_532 = arith.constant 16 : index
        %parallel_loop3A_533 = tpu.vector_load %arg10[%parallel_loop3A_530, %parallel_loop3A_531, %parallel_loop3A_532] {strides = array<i32>} : memref<2x128x128xf32, #tpu.memory_space<vmem>>, vector<1x1x16xf32>,
        %parallel_loop3A_534 = vector.shape_cast %parallel_loop3A_533 : vector<1x1x16xf32> to vector<16xf32>
        %parallel_loop3A_535 = vector.shape_cast %parallel_loop3A_528 : vector<16xf32> to vector<1x1x16xf32>
        tpu.vector_store %arg10[%parallel_loop3A_530, %parallel_loop3A_531, %parallel_loop3A_532], %parallel_loop3A_535 {strides = array<i32>} : memref<2x128x128xf32, #tpu.memory_space<vmem>>, vector<1x1x16xf32>,
        %parallel_loop3A_536 = arith.constant 1 : i32
        %parallel_loop3A_537 = arith.addi %parallel_loop3A_380, %parallel_loop3A_536 : i32
        %parallel_loop3A_538 = arith.index_cast %parallel_loop3A_537 : i32 to index
        %parallel_loop3A_539 = arith.constant 16 : index
        %parallel_loop3A_540 = tpu.vector_load %arg8[%parallel_loop3A_538, %parallel_loop3A_539] {strides = array<i32>} : memref<128x128xf32, #tpu.memory_space<vmem>>, vector<1x16xf32>,
        %parallel_loop3A_541 = vector.shape_cast %parallel_loop3A_540 : vector<1x16xf32> to vector<16xf32>
        %parallel_loop3A_542 = arith.addf %parallel_loop3A_541, %parallel_loop3A_433 : vector<16xf32>
        %parallel_loop3A_543 = arith.constant 1 : i32
        %parallel_loop3A_544 = arith.addi %parallel_loop3A_380, %parallel_loop3A_543 : i32
        %parallel_loop3A_545 = arith.constant 0 : i32
        %parallel_loop3A_546 = arith.index_cast %parallel_loop3A_545 : i32 to index
        %parallel_loop3A_547 = arith.index_cast %parallel_loop3A_544 : i32 to index
        %parallel_loop3A_548 = arith.constant 16 : index
        %parallel_loop3A_549 = tpu.vector_load %arg10[%parallel_loop3A_546, %parallel_loop3A_547, %parallel_loop3A_548] {strides = array<i32>} : memref<2x128x128xf32, #tpu.memory_space<vmem>>, vector<1x1x16xf32>,
        %parallel_loop3A_550 = vector.shape_cast %parallel_loop3A_549 : vector<1x1x16xf32> to vector<16xf32>
        %parallel_loop3A_551 = vector.shape_cast %parallel_loop3A_542 : vector<16xf32> to vector<1x1x16xf32>
        tpu.vector_store %arg10[%parallel_loop3A_546, %parallel_loop3A_547, %parallel_loop3A_548], %parallel_loop3A_551 {strides = array<i32>} : memref<2x128x128xf32, #tpu.memory_space<vmem>>, vector<1x1x16xf32>,
        %parallel_loop3A_552 = arith.addf %parallel_loop3A_541, %parallel_loop3A_397 : vector<16xf32>
        %parallel_loop3A_553 = arith.constant 1 : i32
        %parallel_loop3A_554 = arith.addi %parallel_loop3A_380, %parallel_loop3A_553 : i32
        %parallel_loop3A_555 = arith.constant 1 : i32
        %parallel_loop3A_556 = arith.index_cast %parallel_loop3A_555 : i32 to index
        %parallel_loop3A_557 = arith.index_cast %parallel_loop3A_554 : i32 to index
        %parallel_loop3A_558 = arith.constant 16 : index
        %parallel_loop3A_559 = tpu.vector_load %arg10[%parallel_loop3A_556, %parallel_loop3A_557, %parallel_loop3A_558] {strides = array<i32>} : memref<2x128x128xf32, #tpu.memory_space<vmem>>, vector<1x1x16xf32>,
        %parallel_loop3A_560 = vector.shape_cast %parallel_loop3A_559 : vector<1x1x16xf32> to vector<16xf32>
        %parallel_loop3A_561 = vector.shape_cast %parallel_loop3A_552 : vector<16xf32> to vector<1x1x16xf32>
        tpu.vector_store %arg10[%parallel_loop3A_556, %parallel_loop3A_557, %parallel_loop3A_558], %parallel_loop3A_561 {strides = array<i32>} : memref<2x128x128xf32, #tpu.memory_space<vmem>>, vector<1x1x16xf32>,
        %parallel_loop3A_562 = arith.index_cast %parallel_loop3A_380 : i32 to index
        %parallel_loop3A_563 = arith.constant 32 : index
        %parallel_loop3A_564 = tpu.vector_load %arg8[%parallel_loop3A_562, %parallel_loop3A_563] {strides = array<i32>} : memref<128x128xf32, #tpu.memory_space<vmem>>, vector<1x16xf32>,
        %parallel_loop3A_565 = vector.shape_cast %parallel_loop3A_564 : vector<1x16xf32> to vector<16xf32>
        %parallel_loop3A_566 = arith.addf %parallel_loop3A_565, %parallel_loop3A_401 : vector<16xf32>
        %parallel_loop3A_567 = arith.constant 0 : i32
        %parallel_loop3A_568 = arith.index_cast %parallel_loop3A_567 : i32 to index
        %parallel_loop3A_569 = arith.index_cast %parallel_loop3A_380 : i32 to index
        %parallel_loop3A_570 = arith.constant 32 : index
        %parallel_loop3A_571 = tpu.vector_load %arg10[%parallel_loop3A_568, %parallel_loop3A_569, %parallel_loop3A_570] {strides = array<i32>} : memref<2x128x128xf32, #tpu.memory_space<vmem>>, vector<1x1x16xf32>,
        %parallel_loop3A_572 = vector.shape_cast %parallel_loop3A_571 : vector<1x1x16xf32> to vector<16xf32>
        %parallel_loop3A_573 = vector.shape_cast %parallel_loop3A_566 : vector<16xf32> to vector<1x1x16xf32>
        tpu.vector_store %arg10[%parallel_loop3A_568, %parallel_loop3A_569, %parallel_loop3A_570], %parallel_loop3A_573 {strides = array<i32>} : memref<2x128x128xf32, #tpu.memory_space<vmem>>, vector<1x1x16xf32>,
        %parallel_loop3A_574 = arith.addf %parallel_loop3A_565, %parallel_loop3A_383 : vector<16xf32>
        %parallel_loop3A_575 = arith.constant 1 : i32
        %parallel_loop3A_576 = arith.index_cast %parallel_loop3A_575 : i32 to index
        %parallel_loop3A_577 = arith.index_cast %parallel_loop3A_380 : i32 to index
        %parallel_loop3A_578 = arith.constant 32 : index
        %parallel_loop3A_579 = tpu.vector_load %arg10[%parallel_loop3A_576, %parallel_loop3A_577, %parallel_loop3A_578] {strides = array<i32>} : memref<2x128x128xf32, #tpu.memory_space<vmem>>, vector<1x1x16xf32>,
        %parallel_loop3A_580 = vector.shape_cast %parallel_loop3A_579 : vector<1x1x16xf32> to vector<16xf32>
        %parallel_loop3A_581 = vector.shape_cast %parallel_loop3A_574 : vector<16xf32> to vector<1x1x16xf32>
        tpu.vector_store %arg10[%parallel_loop3A_576, %parallel_loop3A_577, %parallel_loop3A_578], %parallel_loop3A_581 {strides = array<i32>} : memref<2x128x128xf32, #tpu.memory_space<vmem>>, vector<1x1x16xf32>,
        %parallel_loop3A_582 = arith.constant 1 : i32
        %parallel_loop3A_583 = arith.addi %parallel_loop3A_380, %parallel_loop3A_582 : i32
        %parallel_loop3A_584 = arith.index_cast %parallel_loop3A_583 : i32 to index
        %parallel_loop3A_585 = arith.constant 32 : index
        %parallel_loop3A_586 = tpu.vector_load %arg8[%parallel_loop3A_584, %parallel_loop3A_585] {strides = array<i32>} : memref<128x128xf32, #tpu.memory_space<vmem>>, vector<1x16xf32>,
        %parallel_loop3A_587 = vector.shape_cast %parallel_loop3A_586 : vector<1x16xf32> to vector<16xf32>
        %parallel_loop3A_588 = arith.addf %parallel_loop3A_587, %parallel_loop3A_439 : vector<16xf32>
        %parallel_loop3A_589 = arith.constant 1 : i32
        %parallel_loop3A_590 = arith.addi %parallel_loop3A_380, %parallel_loop3A_589 : i32
        %parallel_loop3A_591 = arith.constant 0 : i32
        %parallel_loop3A_592 = arith.index_cast %parallel_loop3A_591 : i32 to index
        %parallel_loop3A_593 = arith.index_cast %parallel_loop3A_590 : i32 to index
        %parallel_loop3A_594 = arith.constant 32 : index
        %parallel_loop3A_595 = tpu.vector_load %arg10[%parallel_loop3A_592, %parallel_loop3A_593, %parallel_loop3A_594] {strides = array<i32>} : memref<2x128x128xf32, #tpu.memory_space<vmem>>, vector<1x1x16xf32>,
        %parallel_loop3A_596 = vector.shape_cast %parallel_loop3A_595 : vector<1x1x16xf32> to vector<16xf32>
        %parallel_loop3A_597 = vector.shape_cast %parallel_loop3A_588 : vector<16xf32> to vector<1x1x16xf32>
        tpu.vector_store %arg10[%parallel_loop3A_592, %parallel_loop3A_593, %parallel_loop3A_594], %parallel_loop3A_597 {strides = array<i32>} : memref<2x128x128xf32, #tpu.memory_space<vmem>>, vector<1x1x16xf32>,
        %parallel_loop3A_598 = arith.addf %parallel_loop3A_587, %parallel_loop3A_401 : vector<16xf32>
        %parallel_loop3A_599 = arith.constant 1 : i32
        %parallel_loop3A_600 = arith.addi %parallel_loop3A_380, %parallel_loop3A_599 : i32
        %parallel_loop3A_601 = arith.constant 1 : i32
        %parallel_loop3A_602 = arith.index_cast %parallel_loop3A_601 : i32 to index
        %parallel_loop3A_603 = arith.index_cast %parallel_loop3A_600 : i32 to index
        %parallel_loop3A_604 = arith.constant 32 : index
        %parallel_loop3A_605 = tpu.vector_load %arg10[%parallel_loop3A_602, %parallel_loop3A_603, %parallel_loop3A_604] {strides = array<i32>} : memref<2x128x128xf32, #tpu.memory_space<vmem>>, vector<1x1x16xf32>,
        %parallel_loop3A_606 = vector.shape_cast %parallel_loop3A_605 : vector<1x1x16xf32> to vector<16xf32>
        %parallel_loop3A_607 = vector.shape_cast %parallel_loop3A_598 : vector<16xf32> to vector<1x1x16xf32>
        tpu.vector_store %arg10[%parallel_loop3A_602, %parallel_loop3A_603, %parallel_loop3A_604], %parallel_loop3A_607 {strides = array<i32>} : memref<2x128x128xf32, #tpu.memory_space<vmem>>, vector<1x1x16xf32>,
        %parallel_loop3A_608 = arith.index_cast %parallel_loop3A_380 : i32 to index
        %parallel_loop3A_609 = arith.constant 48 : index
        %parallel_loop3A_610 = tpu.vector_load %arg8[%parallel_loop3A_608, %parallel_loop3A_609] {strides = array<i32>} : memref<128x128xf32, #tpu.memory_space<vmem>>, vector<1x16xf32>,
        %parallel_loop3A_611 = vector.shape_cast %parallel_loop3A_610 : vector<1x16xf32> to vector<16xf32>
        %parallel_loop3A_612 = arith.addf %parallel_loop3A_611, %parallel_loop3A_405 : vector<16xf32>
        %parallel_loop3A_613 = arith.constant 0 : i32
        %parallel_loop3A_614 = arith.index_cast %parallel_loop3A_613 : i32 to index
        %parallel_loop3A_615 = arith.index_cast %parallel_loop3A_380 : i32 to index
        %parallel_loop3A_616 = arith.constant 48 : index
        %parallel_loop3A_617 = tpu.vector_load %arg10[%parallel_loop3A_614, %parallel_loop3A_615, %parallel_loop3A_616] {strides = array<i32>} : memref<2x128x128xf32, #tpu.memory_space<vmem>>, vector<1x1x16xf32>,
        %parallel_loop3A_618 = vector.shape_cast %parallel_loop3A_617 : vector<1x1x16xf32> to vector<16xf32>
        %parallel_loop3A_619 = vector.shape_cast %parallel_loop3A_612 : vector<16xf32> to vector<1x1x16xf32>
        tpu.vector_store %arg10[%parallel_loop3A_614, %parallel_loop3A_615, %parallel_loop3A_616], %parallel_loop3A_619 {strides = array<i32>} : memref<2x128x128xf32, #tpu.memory_space<vmem>>, vector<1x1x16xf32>,
        %parallel_loop3A_620 = arith.addf %parallel_loop3A_611, %parallel_loop3A_384 : vector<16xf32>
        %parallel_loop3A_621 = arith.constant 1 : i32
        %parallel_loop3A_622 = arith.index_cast %parallel_loop3A_621 : i32 to index
        %parallel_loop3A_623 = arith.index_cast %parallel_loop3A_380 : i32 to index
        %parallel_loop3A_624 = arith.constant 48 : index
        %parallel_loop3A_625 = tpu.vector_load %arg10[%parallel_loop3A_622, %parallel_loop3A_623, %parallel_loop3A_624] {strides = array<i32>} : memref<2x128x128xf32, #tpu.memory_space<vmem>>, vector<1x1x16xf32>,
        %parallel_loop3A_626 = vector.shape_cast %parallel_loop3A_625 : vector<1x1x16xf32> to vector<16xf32>
        %parallel_loop3A_627 = vector.shape_cast %parallel_loop3A_620 : vector<16xf32> to vector<1x1x16xf32>
        tpu.vector_store %arg10[%parallel_loop3A_622, %parallel_loop3A_623, %parallel_loop3A_624], %parallel_loop3A_627 {strides = array<i32>} : memref<2x128x128xf32, #tpu.memory_space<vmem>>, vector<1x1x16xf32>,
        %parallel_loop3A_628 = arith.constant 1 : i32
        %parallel_loop3A_629 = arith.addi %parallel_loop3A_380, %parallel_loop3A_628 : i32
        %parallel_loop3A_630 = arith.index_cast %parallel_loop3A_629 : i32 to index
        %parallel_loop3A_631 = arith.constant 48 : index
        %parallel_loop3A_632 = tpu.vector_load %arg8[%parallel_loop3A_630, %parallel_loop3A_631] {strides = array<i32>} : memref<128x128xf32, #tpu.memory_space<vmem>>, vector<1x16xf32>,
        %parallel_loop3A_633 = vector.shape_cast %parallel_loop3A_632 : vector<1x16xf32> to vector<16xf32>
        %parallel_loop3A_634 = arith.addf %parallel_loop3A_633, %parallel_loop3A_445 : vector<16xf32>
        %parallel_loop3A_635 = arith.constant 1 : i32
        %parallel_loop3A_636 = arith.addi %parallel_loop3A_380, %parallel_loop3A_635 : i32
        %parallel_loop3A_637 = arith.constant 0 : i32
        %parallel_loop3A_638 = arith.index_cast %parallel_loop3A_637 : i32 to index
        %parallel_loop3A_639 = arith.index_cast %parallel_loop3A_636 : i32 to index
        %parallel_loop3A_640 = arith.constant 48 : index
        %parallel_loop3A_641 = tpu.vector_load %arg10[%parallel_loop3A_638, %parallel_loop3A_639, %parallel_loop3A_640] {strides = array<i32>} : memref<2x128x128xf32, #tpu.memory_space<vmem>>, vector<1x1x16xf32>,
        %parallel_loop3A_642 = vector.shape_cast %parallel_loop3A_641 : vector<1x1x16xf32> to vector<16xf32>
        %parallel_loop3A_643 = vector.shape_cast %parallel_loop3A_634 : vector<16xf32> to vector<1x1x16xf32>
        tpu.vector_store %arg10[%parallel_loop3A_638, %parallel_loop3A_639, %parallel_loop3A_640], %parallel_loop3A_643 {strides = array<i32>} : memref<2x128x128xf32, #tpu.memory_space<vmem>>, vector<1x1x16xf32>,
        %parallel_loop3A_644 = arith.addf %parallel_loop3A_633, %parallel_loop3A_405 : vector<16xf32>
        %parallel_loop3A_645 = arith.constant 1 : i32
        %parallel_loop3A_646 = arith.addi %parallel_loop3A_380, %parallel_loop3A_645 : i32
        %parallel_loop3A_647 = arith.constant 1 : i32
        %parallel_loop3A_648 = arith.index_cast %parallel_loop3A_647 : i32 to index
        %parallel_loop3A_649 = arith.index_cast %parallel_loop3A_646 : i32 to index
        %parallel_loop3A_650 = arith.constant 48 : index
        %parallel_loop3A_651 = tpu.vector_load %arg10[%parallel_loop3A_648, %parallel_loop3A_649, %parallel_loop3A_650] {strides = array<i32>} : memref<2x128x128xf32, #tpu.memory_space<vmem>>, vector<1x1x16xf32>,
        %parallel_loop3A_652 = vector.shape_cast %parallel_loop3A_651 : vector<1x1x16xf32> to vector<16xf32>
        %parallel_loop3A_653 = vector.shape_cast %parallel_loop3A_644 : vector<16xf32> to vector<1x1x16xf32>
        tpu.vector_store %arg10[%parallel_loop3A_648, %parallel_loop3A_649, %parallel_loop3A_650], %parallel_loop3A_653 {strides = array<i32>} : memref<2x128x128xf32, #tpu.memory_space<vmem>>, vector<1x1x16xf32>,
        %parallel_loop3A_654 = arith.index_cast %parallel_loop3A_380 : i32 to index
        %parallel_loop3A_655 = arith.constant 64 : index
        %parallel_loop3A_656 = tpu.vector_load %arg8[%parallel_loop3A_654, %parallel_loop3A_655] {strides = array<i32>} : memref<128x128xf32, #tpu.memory_space<vmem>>, vector<1x16xf32>,
        %parallel_loop3A_657 = vector.shape_cast %parallel_loop3A_656 : vector<1x16xf32> to vector<16xf32>
        %parallel_loop3A_658 = arith.addf %parallel_loop3A_657, %parallel_loop3A_409 : vector<16xf32>
        %parallel_loop3A_659 = arith.constant 0 : i32
        %parallel_loop3A_660 = arith.index_cast %parallel_loop3A_659 : i32 to index
        %parallel_loop3A_661 = arith.index_cast %parallel_loop3A_380 : i32 to index
        %parallel_loop3A_662 = arith.constant 64 : index
        %parallel_loop3A_663 = tpu.vector_load %arg10[%parallel_loop3A_660, %parallel_loop3A_661, %parallel_loop3A_662] {strides = array<i32>} : memref<2x128x128xf32, #tpu.memory_space<vmem>>, vector<1x1x16xf32>,
        %parallel_loop3A_664 = vector.shape_cast %parallel_loop3A_663 : vector<1x1x16xf32> to vector<16xf32>
        %parallel_loop3A_665 = vector.shape_cast %parallel_loop3A_658 : vector<16xf32> to vector<1x1x16xf32>
        tpu.vector_store %arg10[%parallel_loop3A_660, %parallel_loop3A_661, %parallel_loop3A_662], %parallel_loop3A_665 {strides = array<i32>} : memref<2x128x128xf32, #tpu.memory_space<vmem>>, vector<1x1x16xf32>,
        %parallel_loop3A_666 = arith.addf %parallel_loop3A_657, %parallel_loop3A_385 : vector<16xf32>
        %parallel_loop3A_667 = arith.constant 1 : i32
        %parallel_loop3A_668 = arith.index_cast %parallel_loop3A_667 : i32 to index
        %parallel_loop3A_669 = arith.index_cast %parallel_loop3A_380 : i32 to index
        %parallel_loop3A_670 = arith.constant 64 : index
        %parallel_loop3A_671 = tpu.vector_load %arg10[%parallel_loop3A_668, %parallel_loop3A_669, %parallel_loop3A_670] {strides = array<i32>} : memref<2x128x128xf32, #tpu.memory_space<vmem>>, vector<1x1x16xf32>,
        %parallel_loop3A_672 = vector.shape_cast %parallel_loop3A_671 : vector<1x1x16xf32> to vector<16xf32>
        %parallel_loop3A_673 = vector.shape_cast %parallel_loop3A_666 : vector<16xf32> to vector<1x1x16xf32>
        tpu.vector_store %arg10[%parallel_loop3A_668, %parallel_loop3A_669, %parallel_loop3A_670], %parallel_loop3A_673 {strides = array<i32>} : memref<2x128x128xf32, #tpu.memory_space<vmem>>, vector<1x1x16xf32>,
        %parallel_loop3A_674 = arith.constant 1 : i32
        %parallel_loop3A_675 = arith.addi %parallel_loop3A_380, %parallel_loop3A_674 : i32
        %parallel_loop3A_676 = arith.index_cast %parallel_loop3A_675 : i32 to index
        %parallel_loop3A_677 = arith.constant 64 : index
        %parallel_loop3A_678 = tpu.vector_load %arg8[%parallel_loop3A_676, %parallel_loop3A_677] {strides = array<i32>} : memref<128x128xf32, #tpu.memory_space<vmem>>, vector<1x16xf32>,
        %parallel_loop3A_679 = vector.shape_cast %parallel_loop3A_678 : vector<1x16xf32> to vector<16xf32>
        %parallel_loop3A_680 = arith.addf %parallel_loop3A_679, %parallel_loop3A_451 : vector<16xf32>
        %parallel_loop3A_681 = arith.constant 1 : i32
        %parallel_loop3A_682 = arith.addi %parallel_loop3A_380, %parallel_loop3A_681 : i32
        %parallel_loop3A_683 = arith.constant 0 : i32
        %parallel_loop3A_684 = arith.index_cast %parallel_loop3A_683 : i32 to index
        %parallel_loop3A_685 = arith.index_cast %parallel_loop3A_682 : i32 to index
        %parallel_loop3A_686 = arith.constant 64 : index
        %parallel_loop3A_687 = tpu.vector_load %arg10[%parallel_loop3A_684, %parallel_loop3A_685, %parallel_loop3A_686] {strides = array<i32>} : memref<2x128x128xf32, #tpu.memory_space<vmem>>, vector<1x1x16xf32>,
        %parallel_loop3A_688 = vector.shape_cast %parallel_loop3A_687 : vector<1x1x16xf32> to vector<16xf32>
        %parallel_loop3A_689 = vector.shape_cast %parallel_loop3A_680 : vector<16xf32> to vector<1x1x16xf32>
        tpu.vector_store %arg10[%parallel_loop3A_684, %parallel_loop3A_685, %parallel_loop3A_686], %parallel_loop3A_689 {strides = array<i32>} : memref<2x128x128xf32, #tpu.memory_space<vmem>>, vector<1x1x16xf32>,
        %parallel_loop3A_690 = arith.addf %parallel_loop3A_679, %parallel_loop3A_409 : vector<16xf32>
        %parallel_loop3A_691 = arith.constant 1 : i32
        %parallel_loop3A_692 = arith.addi %parallel_loop3A_380, %parallel_loop3A_691 : i32
        %parallel_loop3A_693 = arith.constant 1 : i32
        %parallel_loop3A_694 = arith.index_cast %parallel_loop3A_693 : i32 to index
        %parallel_loop3A_695 = arith.index_cast %parallel_loop3A_692 : i32 to index
        %parallel_loop3A_696 = arith.constant 64 : index
        %parallel_loop3A_697 = tpu.vector_load %arg10[%parallel_loop3A_694, %parallel_loop3A_695, %parallel_loop3A_696] {strides = array<i32>} : memref<2x128x128xf32, #tpu.memory_space<vmem>>, vector<1x1x16xf32>,
        %parallel_loop3A_698 = vector.shape_cast %parallel_loop3A_697 : vector<1x1x16xf32> to vector<16xf32>
        %parallel_loop3A_699 = vector.shape_cast %parallel_loop3A_690 : vector<16xf32> to vector<1x1x16xf32>
        tpu.vector_store %arg10[%parallel_loop3A_694, %parallel_loop3A_695, %parallel_loop3A_696], %parallel_loop3A_699 {strides = array<i32>} : memref<2x128x128xf32, #tpu.memory_space<vmem>>, vector<1x1x16xf32>,
        %parallel_loop3A_700 = arith.index_cast %parallel_loop3A_380 : i32 to index
        %parallel_loop3A_701 = arith.constant 80 : index
        %parallel_loop3A_702 = tpu.vector_load %arg8[%parallel_loop3A_700, %parallel_loop3A_701] {strides = array<i32>} : memref<128x128xf32, #tpu.memory_space<vmem>>, vector<1x16xf32>,
        %parallel_loop3A_703 = vector.shape_cast %parallel_loop3A_702 : vector<1x16xf32> to vector<16xf32>
        %parallel_loop3A_704 = arith.addf %parallel_loop3A_703, %parallel_loop3A_413 : vector<16xf32>
        %parallel_loop3A_705 = arith.constant 0 : i32
        %parallel_loop3A_706 = arith.index_cast %parallel_loop3A_705 : i32 to index
        %parallel_loop3A_707 = arith.index_cast %parallel_loop3A_380 : i32 to index
        %parallel_loop3A_708 = arith.constant 80 : index
        %parallel_loop3A_709 = tpu.vector_load %arg10[%parallel_loop3A_706, %parallel_loop3A_707, %parallel_loop3A_708] {strides = array<i32>} : memref<2x128x128xf32, #tpu.memory_space<vmem>>, vector<1x1x16xf32>,
        %parallel_loop3A_710 = vector.shape_cast %parallel_loop3A_709 : vector<1x1x16xf32> to vector<16xf32>
        %parallel_loop3A_711 = vector.shape_cast %parallel_loop3A_704 : vector<16xf32> to vector<1x1x16xf32>
        tpu.vector_store %arg10[%parallel_loop3A_706, %parallel_loop3A_707, %parallel_loop3A_708], %parallel_loop3A_711 {strides = array<i32>} : memref<2x128x128xf32, #tpu.memory_space<vmem>>, vector<1x1x16xf32>,
        %parallel_loop3A_712 = arith.addf %parallel_loop3A_703, %parallel_loop3A_386 : vector<16xf32>
        %parallel_loop3A_713 = arith.constant 1 : i32
        %parallel_loop3A_714 = arith.index_cast %parallel_loop3A_713 : i32 to index
        %parallel_loop3A_715 = arith.index_cast %parallel_loop3A_380 : i32 to index
        %parallel_loop3A_716 = arith.constant 80 : index
        %parallel_loop3A_717 = tpu.vector_load %arg10[%parallel_loop3A_714, %parallel_loop3A_715, %parallel_loop3A_716] {strides = array<i32>} : memref<2x128x128xf32, #tpu.memory_space<vmem>>, vector<1x1x16xf32>,
        %parallel_loop3A_718 = vector.shape_cast %parallel_loop3A_717 : vector<1x1x16xf32> to vector<16xf32>
        %parallel_loop3A_719 = vector.shape_cast %parallel_loop3A_712 : vector<16xf32> to vector<1x1x16xf32>
        tpu.vector_store %arg10[%parallel_loop3A_714, %parallel_loop3A_715, %parallel_loop3A_716], %parallel_loop3A_719 {strides = array<i32>} : memref<2x128x128xf32, #tpu.memory_space<vmem>>, vector<1x1x16xf32>,
        %parallel_loop3A_720 = arith.constant 1 : i32
        %parallel_loop3A_721 = arith.addi %parallel_loop3A_380, %parallel_loop3A_720 : i32
        %parallel_loop3A_722 = arith.index_cast %parallel_loop3A_721 : i32 to index
        %parallel_loop3A_723 = arith.constant 80 : index
        %parallel_loop3A_724 = tpu.vector_load %arg8[%parallel_loop3A_722, %parallel_loop3A_723] {strides = array<i32>} : memref<128x128xf32, #tpu.memory_space<vmem>>, vector<1x16xf32>,
        %parallel_loop3A_725 = vector.shape_cast %parallel_loop3A_724 : vector<1x16xf32> to vector<16xf32>
        %parallel_loop3A_726 = arith.addf %parallel_loop3A_725, %parallel_loop3A_457 : vector<16xf32>
        %parallel_loop3A_727 = arith.constant 1 : i32
        %parallel_loop3A_728 = arith.addi %parallel_loop3A_380, %parallel_loop3A_727 : i32
        %parallel_loop3A_729 = arith.constant 0 : i32
        %parallel_loop3A_730 = arith.index_cast %parallel_loop3A_729 : i32 to index
        %parallel_loop3A_731 = arith.index_cast %parallel_loop3A_728 : i32 to index
        %parallel_loop3A_732 = arith.constant 80 : index
        %parallel_loop3A_733 = tpu.vector_load %arg10[%parallel_loop3A_730, %parallel_loop3A_731, %parallel_loop3A_732] {strides = array<i32>} : memref<2x128x128xf32, #tpu.memory_space<vmem>>, vector<1x1x16xf32>,
        %parallel_loop3A_734 = vector.shape_cast %parallel_loop3A_733 : vector<1x1x16xf32> to vector<16xf32>
        %parallel_loop3A_735 = vector.shape_cast %parallel_loop3A_726 : vector<16xf32> to vector<1x1x16xf32>
        tpu.vector_store %arg10[%parallel_loop3A_730, %parallel_loop3A_731, %parallel_loop3A_732], %parallel_loop3A_735 {strides = array<i32>} : memref<2x128x128xf32, #tpu.memory_space<vmem>>, vector<1x1x16xf32>,
        %parallel_loop3A_736 = arith.addf %parallel_loop3A_725, %parallel_loop3A_413 : vector<16xf32>
        %parallel_loop3A_737 = arith.constant 1 : i32
        %parallel_loop3A_738 = arith.addi %parallel_loop3A_380, %parallel_loop3A_737 : i32
        %parallel_loop3A_739 = arith.constant 1 : i32
        %parallel_loop3A_740 = arith.index_cast %parallel_loop3A_739 : i32 to index
        %parallel_loop3A_741 = arith.index_cast %parallel_loop3A_738 : i32 to index
        %parallel_loop3A_742 = arith.constant 80 : index
        %parallel_loop3A_743 = tpu.vector_load %arg10[%parallel_loop3A_740, %parallel_loop3A_741, %parallel_loop3A_742] {strides = array<i32>} : memref<2x128x128xf32, #tpu.memory_space<vmem>>, vector<1x1x16xf32>,
        %parallel_loop3A_744 = vector.shape_cast %parallel_loop3A_743 : vector<1x1x16xf32> to vector<16xf32>
        %parallel_loop3A_745 = vector.shape_cast %parallel_loop3A_736 : vector<16xf32> to vector<1x1x16xf32>
        tpu.vector_store %arg10[%parallel_loop3A_740, %parallel_loop3A_741, %parallel_loop3A_742], %parallel_loop3A_745 {strides = array<i32>} : memref<2x128x128xf32, #tpu.memory_space<vmem>>, vector<1x1x16xf32>,
        %parallel_loop3A_746 = arith.index_cast %parallel_loop3A_380 : i32 to index
        %parallel_loop3A_747 = arith.constant 96 : index
        %parallel_loop3A_748 = tpu.vector_load %arg8[%parallel_loop3A_746, %parallel_loop3A_747] {strides = array<i32>} : memref<128x128xf32, #tpu.memory_space<vmem>>, vector<1x16xf32>,
        %parallel_loop3A_749 = vector.shape_cast %parallel_loop3A_748 : vector<1x16xf32> to vector<16xf32>
        %parallel_loop3A_750 = arith.addf %parallel_loop3A_749, %parallel_loop3A_417 : vector<16xf32>
        %parallel_loop3A_751 = arith.constant 0 : i32
        %parallel_loop3A_752 = arith.index_cast %parallel_loop3A_751 : i32 to index
        %parallel_loop3A_753 = arith.index_cast %parallel_loop3A_380 : i32 to index
        %parallel_loop3A_754 = arith.constant 96 : index
        %parallel_loop3A_755 = tpu.vector_load %arg10[%parallel_loop3A_752, %parallel_loop3A_753, %parallel_loop3A_754] {strides = array<i32>} : memref<2x128x128xf32, #tpu.memory_space<vmem>>, vector<1x1x16xf32>,
        %parallel_loop3A_756 = vector.shape_cast %parallel_loop3A_755 : vector<1x1x16xf32> to vector<16xf32>
        %parallel_loop3A_757 = vector.shape_cast %parallel_loop3A_750 : vector<16xf32> to vector<1x1x16xf32>
        tpu.vector_store %arg10[%parallel_loop3A_752, %parallel_loop3A_753, %parallel_loop3A_754], %parallel_loop3A_757 {strides = array<i32>} : memref<2x128x128xf32, #tpu.memory_space<vmem>>, vector<1x1x16xf32>,
        %parallel_loop3A_758 = arith.addf %parallel_loop3A_749, %parallel_loop3A_387 : vector<16xf32>
        %parallel_loop3A_759 = arith.constant 1 : i32
        %parallel_loop3A_760 = arith.index_cast %parallel_loop3A_759 : i32 to index
        %parallel_loop3A_761 = arith.index_cast %parallel_loop3A_380 : i32 to index
        %parallel_loop3A_762 = arith.constant 96 : index
        %parallel_loop3A_763 = tpu.vector_load %arg10[%parallel_loop3A_760, %parallel_loop3A_761, %parallel_loop3A_762] {strides = array<i32>} : memref<2x128x128xf32, #tpu.memory_space<vmem>>, vector<1x1x16xf32>,
        %parallel_loop3A_764 = vector.shape_cast %parallel_loop3A_763 : vector<1x1x16xf32> to vector<16xf32>
        %parallel_loop3A_765 = vector.shape_cast %parallel_loop3A_758 : vector<16xf32> to vector<1x1x16xf32>
        tpu.vector_store %arg10[%parallel_loop3A_760, %parallel_loop3A_761, %parallel_loop3A_762], %parallel_loop3A_765 {strides = array<i32>} : memref<2x128x128xf32, #tpu.memory_space<vmem>>, vector<1x1x16xf32>,
        %parallel_loop3A_766 = arith.constant 1 : i32
        %parallel_loop3A_767 = arith.addi %parallel_loop3A_380, %parallel_loop3A_766 : i32
        %parallel_loop3A_768 = arith.index_cast %parallel_loop3A_767 : i32 to index
        %parallel_loop3A_769 = arith.constant 96 : index
        %parallel_loop3A_770 = tpu.vector_load %arg8[%parallel_loop3A_768, %parallel_loop3A_769] {strides = array<i32>} : memref<128x128xf32, #tpu.memory_space<vmem>>, vector<1x16xf32>,
        %parallel_loop3A_771 = vector.shape_cast %parallel_loop3A_770 : vector<1x16xf32> to vector<16xf32>
        %parallel_loop3A_772 = arith.addf %parallel_loop3A_771, %parallel_loop3A_463 : vector<16xf32>
        %parallel_loop3A_773 = arith.constant 1 : i32
        %parallel_loop3A_774 = arith.addi %parallel_loop3A_380, %parallel_loop3A_773 : i32
        %parallel_loop3A_775 = arith.constant 0 : i32
        %parallel_loop3A_776 = arith.index_cast %parallel_loop3A_775 : i32 to index
        %parallel_loop3A_777 = arith.index_cast %parallel_loop3A_774 : i32 to index
        %parallel_loop3A_778 = arith.constant 96 : index
        %parallel_loop3A_779 = tpu.vector_load %arg10[%parallel_loop3A_776, %parallel_loop3A_777, %parallel_loop3A_778] {strides = array<i32>} : memref<2x128x128xf32, #tpu.memory_space<vmem>>, vector<1x1x16xf32>,
        %parallel_loop3A_780 = vector.shape_cast %parallel_loop3A_779 : vector<1x1x16xf32> to vector<16xf32>
        %parallel_loop3A_781 = vector.shape_cast %parallel_loop3A_772 : vector<16xf32> to vector<1x1x16xf32>
        tpu.vector_store %arg10[%parallel_loop3A_776, %parallel_loop3A_777, %parallel_loop3A_778], %parallel_loop3A_781 {strides = array<i32>} : memref<2x128x128xf32, #tpu.memory_space<vmem>>, vector<1x1x16xf32>,
        %parallel_loop3A_782 = arith.addf %parallel_loop3A_771, %parallel_loop3A_417 : vector<16xf32>
        %parallel_loop3A_783 = arith.constant 1 : i32
        %parallel_loop3A_784 = arith.addi %parallel_loop3A_380, %parallel_loop3A_783 : i32
        %parallel_loop3A_785 = arith.constant 1 : i32
        %parallel_loop3A_786 = arith.index_cast %parallel_loop3A_785 : i32 to index
        %parallel_loop3A_787 = arith.index_cast %parallel_loop3A_784 : i32 to index
        %parallel_loop3A_788 = arith.constant 96 : index
        %parallel_loop3A_789 = tpu.vector_load %arg10[%parallel_loop3A_786, %parallel_loop3A_787, %parallel_loop3A_788] {strides = array<i32>} : memref<2x128x128xf32, #tpu.memory_space<vmem>>, vector<1x1x16xf32>,
        %parallel_loop3A_790 = vector.shape_cast %parallel_loop3A_789 : vector<1x1x16xf32> to vector<16xf32>
        %parallel_loop3A_791 = vector.shape_cast %parallel_loop3A_782 : vector<16xf32> to vector<1x1x16xf32>
        tpu.vector_store %arg10[%parallel_loop3A_786, %parallel_loop3A_787, %parallel_loop3A_788], %parallel_loop3A_791 {strides = array<i32>} : memref<2x128x128xf32, #tpu.memory_space<vmem>>, vector<1x1x16xf32>,
        %parallel_loop3A_792 = arith.index_cast %parallel_loop3A_380 : i32 to index
        %parallel_loop3A_793 = arith.constant 112 : index
        %parallel_loop3A_794 = tpu.vector_load %arg8[%parallel_loop3A_792, %parallel_loop3A_793] {strides = array<i32>} : memref<128x128xf32, #tpu.memory_space<vmem>>, vector<1x16xf32>,
        %parallel_loop3A_795 = vector.shape_cast %parallel_loop3A_794 : vector<1x16xf32> to vector<16xf32>
        %parallel_loop3A_796 = arith.addf %parallel_loop3A_795, %parallel_loop3A_421 : vector<16xf32>
        %parallel_loop3A_797 = arith.constant 0 : i32
        %parallel_loop3A_798 = arith.index_cast %parallel_loop3A_797 : i32 to index
        %parallel_loop3A_799 = arith.index_cast %parallel_loop3A_380 : i32 to index
        %parallel_loop3A_800 = arith.constant 112 : index
        %parallel_loop3A_801 = tpu.vector_load %arg10[%parallel_loop3A_798, %parallel_loop3A_799, %parallel_loop3A_800] {strides = array<i32>} : memref<2x128x128xf32, #tpu.memory_space<vmem>>, vector<1x1x16xf32>,
        %parallel_loop3A_802 = vector.shape_cast %parallel_loop3A_801 : vector<1x1x16xf32> to vector<16xf32>
        %parallel_loop3A_803 = vector.shape_cast %parallel_loop3A_796 : vector<16xf32> to vector<1x1x16xf32>
        tpu.vector_store %arg10[%parallel_loop3A_798, %parallel_loop3A_799, %parallel_loop3A_800], %parallel_loop3A_803 {strides = array<i32>} : memref<2x128x128xf32, #tpu.memory_space<vmem>>, vector<1x1x16xf32>,
        %parallel_loop3A_804 = arith.addf %parallel_loop3A_795, %parallel_loop3A_388 : vector<16xf32>
        %parallel_loop3A_805 = arith.constant 1 : i32
        %parallel_loop3A_806 = arith.index_cast %parallel_loop3A_805 : i32 to index
        %parallel_loop3A_807 = arith.index_cast %parallel_loop3A_380 : i32 to index
        %parallel_loop3A_808 = arith.constant 112 : index
        %parallel_loop3A_809 = tpu.vector_load %arg10[%parallel_loop3A_806, %parallel_loop3A_807, %parallel_loop3A_808] {strides = array<i32>} : memref<2x128x128xf32, #tpu.memory_space<vmem>>, vector<1x1x16xf32>,
        %parallel_loop3A_810 = vector.shape_cast %parallel_loop3A_809 : vector<1x1x16xf32> to vector<16xf32>
        %parallel_loop3A_811 = vector.shape_cast %parallel_loop3A_804 : vector<16xf32> to vector<1x1x16xf32>
        tpu.vector_store %arg10[%parallel_loop3A_806, %parallel_loop3A_807, %parallel_loop3A_808], %parallel_loop3A_811 {strides = array<i32>} : memref<2x128x128xf32, #tpu.memory_space<vmem>>, vector<1x1x16xf32>,
        %parallel_loop3A_812 = arith.constant 1 : i32
        %parallel_loop3A_813 = arith.addi %parallel_loop3A_380, %parallel_loop3A_812 : i32
        %parallel_loop3A_814 = arith.index_cast %parallel_loop3A_813 : i32 to index
        %parallel_loop3A_815 = arith.constant 112 : index
        %parallel_loop3A_816 = tpu.vector_load %arg8[%parallel_loop3A_814, %parallel_loop3A_815] {strides = array<i32>} : memref<128x128xf32, #tpu.memory_space<vmem>>, vector<1x16xf32>,
        %parallel_loop3A_817 = vector.shape_cast %parallel_loop3A_816 : vector<1x16xf32> to vector<16xf32>
        %parallel_loop3A_818 = arith.addf %parallel_loop3A_817, %parallel_loop3A_469 : vector<16xf32>
        %parallel_loop3A_819 = arith.constant 1 : i32
        %parallel_loop3A_820 = arith.addi %parallel_loop3A_380, %parallel_loop3A_819 : i32
        %parallel_loop3A_821 = arith.constant 0 : i32
        %parallel_loop3A_822 = arith.index_cast %parallel_loop3A_821 : i32 to index
        %parallel_loop3A_823 = arith.index_cast %parallel_loop3A_820 : i32 to index
        %parallel_loop3A_824 = arith.constant 112 : index
        %parallel_loop3A_825 = tpu.vector_load %arg10[%parallel_loop3A_822, %parallel_loop3A_823, %parallel_loop3A_824] {strides = array<i32>} : memref<2x128x128xf32, #tpu.memory_space<vmem>>, vector<1x1x16xf32>,
        %parallel_loop3A_826 = vector.shape_cast %parallel_loop3A_825 : vector<1x1x16xf32> to vector<16xf32>
        %parallel_loop3A_827 = vector.shape_cast %parallel_loop3A_818 : vector<16xf32> to vector<1x1x16xf32>
        tpu.vector_store %arg10[%parallel_loop3A_822, %parallel_loop3A_823, %parallel_loop3A_824], %parallel_loop3A_827 {strides = array<i32>} : memref<2x128x128xf32, #tpu.memory_space<vmem>>, vector<1x1x16xf32>,
        %parallel_loop3A_828 = arith.addf %parallel_loop3A_817, %parallel_loop3A_421 : vector<16xf32>
        %parallel_loop3A_829 = arith.constant 1 : i32
        %parallel_loop3A_830 = arith.addi %parallel_loop3A_380, %parallel_loop3A_829 : i32
        %parallel_loop3A_831 = arith.constant 1 : i32
        %parallel_loop3A_832 = arith.index_cast %parallel_loop3A_831 : i32 to index
        %parallel_loop3A_833 = arith.index_cast %parallel_loop3A_830 : i32 to index
        %parallel_loop3A_834 = arith.constant 112 : index
        %parallel_loop3A_835 = tpu.vector_load %arg10[%parallel_loop3A_832, %parallel_loop3A_833, %parallel_loop3A_834] {strides = array<i32>} : memref<2x128x128xf32, #tpu.memory_space<vmem>>, vector<1x1x16xf32>,
        %parallel_loop3A_836 = vector.shape_cast %parallel_loop3A_835 : vector<1x1x16xf32> to vector<16xf32>
        %parallel_loop3A_837 = vector.shape_cast %parallel_loop3A_828 : vector<16xf32> to vector<1x1x16xf32>
        tpu.vector_store %arg10[%parallel_loop3A_832, %parallel_loop3A_833, %parallel_loop3A_834], %parallel_loop3A_837 {strides = array<i32>} : memref<2x128x128xf32, #tpu.memory_space<vmem>>, vector<1x1x16xf32>,
        scf.yield %parallel_loop3A_427, %parallel_loop3A_433, %parallel_loop3A_439, %parallel_loop3A_445, %parallel_loop3A_451, %parallel_loop3A_457, %parallel_loop3A_463, %parallel_loop3A_469 : vector<16xf32>, vector<16xf32>, vector<16xf32>, vector<16xf32>, vector<16xf32>, vector<16xf32>, vector<16xf32>, vector<16xf32>
      } {sc.loop_unroll_factor = 2 : i64, sc.parallel_access}
      %add3A_371 = arith.addi %mul3A_20, %add3A_311 : i32
      %dma_start3A_372 = arith.constant 0 : i32
      %dma_start3A_373 = arith.constant 0 : i32
      %dma_start3A_374 = tpu.memref_slice %arg4[%add3A_371, %rem3A_18, %dma_start3A_372, %dma_start3A_373] : memref<512x4x128x128xf32, #tpu.memory_space<hbm>> -> memref<2x1x128x128xf32, #tpu.memory_space<hbm>>
      %dma_start3A_375 = tpu.memref_squeeze %dma_start3A_374 : memref<2x1x128x128xf32, #tpu.memory_space<hbm>> -> memref<2x128x128xf32, #tpu.memory_space<hbm>>
      %dma_start3A_376 = arith.constant 0 : i32
      %dma_start3A_377 = arith.constant 0 : i32
      %dma_start3A_378 = tpu.memref_slice %arg4[%add3A_371, %rem3A_18, %dma_start3A_376, %dma_start3A_377] : memref<512x4x128x128xf32, #tpu.memory_space<hbm>> -> memref<2x1x128x128xf32, #tpu.memory_space<hbm>>
      %dma_start3A_379 = tpu.memref_squeeze %dma_start3A_378 : memref<2x1x128x128xf32, #tpu.memory_space<hbm>> -> memref<2x128x128xf32, #tpu.memory_space<hbm>>
      tpu.enqueue_dma source(%arg10 : memref<2x128x128xf32, #tpu.memory_space<vmem>>) target(%dma_start3A_379 : memref<2x128x128xf32, #tpu.memory_space<hbm>>) target_semaphore(%arg12 : memref<!tpu.dma_semaphore, #tpu.memory_space<semaphore_mem>>)
    }
    %scan3A_227 = arith.constant 16 : i32
    %dma_wait3A_228 = arith.constant 0 : i32
    %dma_wait3A_229 = arith.constant 0 : i32
    %dma_wait3A_230 = tpu.memref_slice %arg4[%mul3A_20, %rem3A_18, %dma_wait3A_228, %dma_wait3A_229] : memref<512x4x128x128xf32, #tpu.memory_space<hbm>> -> memref<2x1x128x128xf32, #tpu.memory_space<hbm>>
    %dma_wait3A_231 = tpu.memref_squeeze %dma_wait3A_230 : memref<2x1x128x128xf32, #tpu.memory_space<hbm>> -> memref<2x128x128xf32, #tpu.memory_space<hbm>>
    %dma_wait3A_232 = arith.constant 0 : i32
    %dma_wait3A_233 = arith.constant 0 : i32
    %dma_wait3A_234 = tpu.memref_slice %arg4[%mul3A_20, %rem3A_18, %dma_wait3A_232, %dma_wait3A_233] : memref<512x4x128x128xf32, #tpu.memory_space<hbm>> -> memref<2x1x128x128xf32, #tpu.memory_space<hbm>>
    %dma_wait3A_235 = tpu.memref_squeeze %dma_wait3A_234 : memref<2x1x128x128xf32, #tpu.memory_space<hbm>> -> memref<2x128x128xf32, #tpu.memory_space<hbm>>
    tpu.wait_dma2 semaphore(%arg11 : memref<!tpu.dma_semaphore, #tpu.memory_space<semaphore_mem>>) src(%arg9 : memref<2x128x128xf32, #tpu.memory_space<vmem>>) dst(%dma_wait3A_235 : memref<2x128x128xf32, #tpu.memory_space<hbm>>)
    %dma_wait3A_236 = arith.constant 0 : i32
    %dma_wait3A_237 = arith.constant 0 : i32
    %dma_wait3A_238 = tpu.memref_slice %arg4[%mul3A_20, %rem3A_18, %dma_wait3A_236, %dma_wait3A_237] : memref<512x4x128x128xf32, #tpu.memory_space<hbm>> -> memref<2x1x128x128xf32, #tpu.memory_space<hbm>>
    %dma_wait3A_239 = tpu.memref_squeeze %dma_wait3A_238 : memref<2x1x128x128xf32, #tpu.memory_space<hbm>> -> memref<2x128x128xf32, #tpu.memory_space<hbm>>
    %dma_wait3A_240 = arith.constant 0 : i32
    %dma_wait3A_241 = arith.constant 0 : i32
    %dma_wait3A_242 = tpu.memref_slice %arg4[%mul3A_20, %rem3A_18, %dma_wait3A_240, %dma_wait3A_241] : memref<512x4x128x128xf32, #tpu.memory_space<hbm>> -> memref<2x1x128x128xf32, #tpu.memory_space<hbm>>
    %dma_wait3A_243 = tpu.memref_squeeze %dma_wait3A_242 : memref<2x1x128x128xf32, #tpu.memory_space<hbm>> -> memref<2x128x128xf32, #tpu.memory_space<hbm>>
    tpu.wait_dma2 semaphore(%arg12 : memref<!tpu.dma_semaphore, #tpu.memory_space<semaphore_mem>>) src(%arg10 : memref<2x128x128xf32, #tpu.memory_space<vmem>>) dst(%dma_wait3A_243 : memref<2x128x128xf32, #tpu.memory_space<hbm>>)
    return
  }
}

</mosaic_0001>

<sc_bundles>
// kernel: kernel.3.cloned.1.call-start
scs
__scs_entry_jumppad:
0x0: {  	(pc) =	sbr.rel $0x88, $3  }
0x1: {  	(tag) =	ssettag $0x0;
	lr =	simm.s32 $0x1  }
0x2: {  	[smem:$0x3F9F] =	sst lr;
	_ =	strace $0xD0000000  }
0x3: {  	_ = 	snop  }
0x4: {  	_ = 	snop  }
0x5: {  	_ = 	snop  }
0x6: {  	_ = 	snop  }
0x7: {  	_ = 	snop  }
__scs_overlays_trampoline_lowered:
0x8: {  	[smem:$0x3FAE] =	sst s0  }
0x9: {  	[smem:$0x3FAF] =	sst s1  }
0xa: {  	[smem:$0x3FB0] =	sst s2  }
0xb: {  	[smem:$0x3FB1] =	sst s3  }
0xc: {  	[smem:$0x3FB2] =	sst s4  }
0xd: {  	[smem:$0x3FB3] =	sst s5  }
0xe: {  	[smem:$0x3FB4] =	sst s6  }
0xf: {  	[smem:$0x3FB5] =	sst s7  }
0x10: {  	[smem:$0x3FB6] =	sst s8  }
0x11: {  	[smem:$0x3FB7] =	sst s9;
	s0 =	simm.s32 @!p0 $0x0  }
0x12: {  	s1 =	sld [smem:$0x3F9D];
	s0 =	simm.s32 @p0 $0x1  }
0x13: {  	[smem:$0x3FB8] =	sst s0;
	s0 =	simm.s32 @!p1 $0x0  }
0x14: {  	s2 =	sld [smem:$0x3F9C];
	s0 =	simm.s32 @p1 $0x1  }
0x15: {  	[smem:$0x3FB9] =	sst s0;
	s0 =	simm.s32 @!p2 $0x0  }
0x16: {  	s3 =	sld [smem:$0x3FDB];
	s0 =	simm.s32 @p2 $0x1  }
0x17: {  	s4 =	simm.s32 $0x1BF5;
	[smem:$0x3FBB] =	sst s0  }
0x18: {  	s0 =	sld [smem:$0x3F9E];
	_ =	swait.ge [sflag:s4], $0x0  }
0x19: {  	s7 =	sld [smem:$0x3F9F]  }
0x1a: {  	s8 =	sadd.s32 $0xFFFFE003, lr  }
0x1b: {  	s9 =	sadd.s32 $0xFFFFFEF7, lr;
	s5 =	simm.s32 $0xFFFFFFFF;
	p2 =	slt.u32 s8, $0xFFFFF086  }
0x1c: {  	p1 =	slt.u32 s9, $0xF7A;
	s5 =	simm.s32 @!p2 $0x0  }
0x1d: {  	s5 =	simm.s32 @p1 $0x1;
	p0 =	seq.s32 s7, s2  }
0x1e: {  	s7 =	smul.u32 @!p0 $0xF7A, s2;
	p2 =	seq.s32 @!p0 s5, $0x0  }
0x1f: {  	s9 =	smul.u32 $0xF7A, s1;
	s8 =	simm.s32 @!p0 $0x1BF5;
	p2 =	por !p2, p0  }
0x20: {  	[sflag:s8] =	ssyncset.s32 @!p0 $0xFFFFF086;
	s6 =	sadd.s32 @!p0 s3, s7;
	s7 =	simm.s32 @!p0 $0x108  }
0x21: {  	s3 =	sadd.s32 s3, s9;
	s6 =	sadd.s32 @!p0 $0x88, s6;
	s7 =	simm.s32 @p2 $0x1082  }
0x22: {  	[simem:s7], [sflag:s8] =	dma.local @!p0 [hbm:s6], $0xF7A  }
0x23: {  	s9 =	sor.u32 $0xD0000000, s2;
	s6 =	simm.s32 $0x108;
	_ =	swait.ge @!p0 [sflag:s8], $0x0  }
0x24: {  	s3 =	sadd.s32 $0x88, s3;
	s6 =	simm.s32 @!p1 $0x1082;
	[sflag:s4] =	ssyncset.s32 $0xFFFFF086  }
0x25: {  	[simem:s6], [sflag:s4] =	dma.local [hbm:s3], $0xF7A  }
0x26: {  	[smem:$0x3F9F] =	sst s1;
	(tag) =	ssettag s2;
	_ =	strace s9  }
0x27: {  	s1 =	sld [smem:$0x3FAF]  }
0x28: {  	s2 =	sld [smem:$0x3FB0]  }
0x29: {  	s4 =	sld [smem:$0x3FB2]  }
0x2a: {  	p0 =	seq.s32 s5, $0x0;
	s5 =	sld [smem:$0x3FB3]  }
0x2b: {  	s6 =	sld [smem:$0x3FB4]  }
0x2c: {  	s7 =	sld [smem:$0x3FB5]  }
0x2d: {  	s3 =	simm.s32 $0x108;
	s8 =	sld [smem:$0x3FB6]  }
0x2e: {  	s3 =	simm.s32 @!p0 $0x1082;
	s9 =	sld [smem:$0x3FB7]  }
0x2f: {  	lr =	sadd.s32 s0, s3;
	s0 =	sld [smem:$0x3FAE]  }
0x30: {  	s3 =	sld [smem:$0x3FB1]  }
0x31: {  	[smem:$0x3FBA] =	sst s10  }
0x32: {  	s10 =	sld [smem:$0x3FB8];
	_ =	sdelay $0x3  }
0x33: {  	p0 =	seq.s32 s10, $0x1;
	s10 =	sld [smem:$0x3FBA];
	_ =	sdelay $0x3  }
0x34: {  	[smem:$0x3FBA] =	sst s10  }
0x35: {  	s10 =	sld [smem:$0x3FB9];
	_ =	sdelay $0x3  }
0x36: {  	p1 =	seq.s32 s10, $0x1;
	s10 =	sld [smem:$0x3FBA];
	_ =	sdelay $0x3  }
0x37: {  	[smem:$0x3FBA] =	sst s10  }
0x38: {  	s10 =	sld [smem:$0x3FBB]  }
0x39: {  	_ = 	snop;
	(pc) =	sbr.ind lr, $3  }
0x3a: {  	_ = 	snop  }
0x3b: {  	_ = 	snop  }
0x3c: {  	p2 =	seq.s32 s10, $0x1;
	s10 =	sld [smem:$0x3FBA]  }
0x3d: {  	_ =	shalt  }
0x3e: {  	_ =	shalt  }
0x3f: {  	_ =	shalt  }
0x40: {  	_ =	shalt  }
0x41: {  	_ =	shalt  }
0x42: {  	_ =	shalt  }
0x43: {  	_ =	shalt  }
0x44: {  	_ =	shalt  }
0x45: {  	_ =	shalt  }
0x46: {  	_ =	shalt  }
0x47: {  	_ =	shalt  }
0x48: {  	_ =	shalt  }
0x49: {  	_ =	shalt  }
0x4a: {  	_ =	shalt  }
0x4b: {  	_ =	shalt  }
0x4c: {  	_ =	shalt  }
0x4d: {  	_ =	shalt  }
0x4e: {  	_ =	shalt  }
0x4f: {  	_ =	shalt  }
0x50: {  	_ =	shalt  }
0x51: {  	_ =	shalt  }
0x52: {  	_ =	shalt  }
0x53: {  	_ =	shalt  }
0x54: {  	_ =	shalt  }
0x55: {  	_ =	shalt  }
0x56: {  	_ =	shalt  }
0x57: {  	_ =	shalt  }
0x58: {  	_ =	shalt  }
0x59: {  	_ =	shalt  }
0x5a: {  	_ =	shalt  }
0x5b: {  	_ =	shalt  }
0x5c: {  	_ =	shalt  }
0x5d: {  	_ =	shalt  }
0x5e: {  	_ =	shalt  }
0x5f: {  	_ =	shalt  }
0x60: {  	_ =	shalt  }
0x61: {  	_ =	shalt  }
0x62: {  	_ =	shalt  }
0x63: {  	_ =	shalt  }
0x64: {  	_ =	shalt  }
0x65: {  	_ =	shalt  }
0x66: {  	_ =	shalt  }
0x67: {  	_ =	shalt  }
0x68: {  	_ =	shalt  }
0x69: {  	_ =	shalt  }
0x6a: {  	_ =	shalt  }
0x6b: {  	_ =	shalt  }
0x6c: {  	_ =	shalt  }
0x6d: {  	_ =	shalt  }
0x6e: {  	_ =	shalt  }
0x6f: {  	_ =	shalt  }
0x70: {  	_ =	shalt  }
0x71: {  	_ =	shalt  }
0x72: {  	_ =	shalt  }
0x73: {  	_ =	shalt  }
0x74: {  	_ =	shalt  }
0x75: {  	_ =	shalt  }
0x76: {  	_ =	shalt  }
0x77: {  	_ =	shalt  }
0x78: {  	_ =	shalt  }
0x79: {  	_ =	shalt  }
0x7a: {  	_ =	shalt  }
0x7b: {  	_ =	shalt  }
0x7c: {  	_ =	shalt  }
0x7d: {  	_ =	shalt  }
0x7e: {  	_ =	shalt  }
0x7f: {  	_ =	shalt  }
0x80: {  	_ =	shalt  }
0x81: {  	_ =	shalt  }
0x82: {  	_ =	shalt  }
0x83: {  	_ =	shalt  }
0x84: {  	_ =	shalt  }
0x85: {  	_ =	shalt  }
0x86: {  	_ =	shalt  }
0x87: {  	_ =	shalt  }
.Lfunc_end0:
.L_simem_size_0:
called_computation_lowered:
.L_overlay_start_0:
0x88: {  	s2 =	sld [smem:$0x3FD9]  }
0x89: {  	s3 =	sld [smem:$0x3FFE];
	_ =	sdelay $0x1  }
0x8a: {  	s1 =	srdreg.scid  }
0x8b: {  	s0 =	sand.u32 $0x1, s1  }
0x8c: {  	s18 =	sshll.u32 s0, $0xA;
	s2 =	sadd.s32 s3, s2  }
0x8d: {  	s2 =	sadd.s32 s2, s18  }
0x8e: {  	[smem:$0x3FC6] =	sst s2  }
0x8f: {  	_ = 	snop  }
0x90: {  	s2 =	sld [smem:$0x3FC9]  }
0x91: {  	s19 =	sld [smem:$0x3FC8]  }
0x92: {  	s4 =	sld [smem:$0x3FD0];
	(tm) =	ssettm $0x1  }
0x93: {  	s5 =	sld [smem:$0x3FFB];
	_ =	sdelay $0x3  }
0x94: {  	_ =	strace s5  }
0x95: {  	s5 =	sld [smem:$0x3FFC];
	_ =	sdelay $0x3  }
0x96: {  	_ =	strace s5  }
0x97: {  	s5 =	sld [smem:$0x3FFD];
	_ =	sdelay $0x3  }
0x98: {  	_ =	strace s5  }
0x99: {  	_ =	strace $0x8FFFFFFF  }
0x9a: {  	s20 =	sld [smem:$0x3FDB];
	_ =	sdelay $0x1  }
0x9b: {  	s6 =	simm.s32 $_scs_section_size  }
0x9c: {  	s7 =	simm.s32 $_size__tile_overlayer_lowered;
	s8 =	simm.s32 $_tile_overlayer_lowered  }
0x9d: {  	s23 =	simm.s32 $0x1BFF;
	s22 =	sshll.u32 s8, $0x1;
	s5 =	sadd.s32 s6, s20  }
0x9e: {  	s9 =	simm.s32 $0x0;
	s21 =	sshll.u32 s7, $0x1;
	s7 =	sadd.s32 s22, s5  }
0x9f: {  	[timem:s9], [sflag:s23] =	dma.local [hbm:s7], s21  }
0xa0: {  	_ =	swait.ge [sflag:s23], s21  }
0xa1: {  	s6 =	ssub.s32 $0x0, s21;
	[sflag:s23] =	ssyncset.done $0x0  }
0xa2: {  	[sflag:s23] =	ssyncadd.s32 s6;
	_ =	sdelay $0x1  }
0xa3: {  	s24 =	simm.s32 $0x1B8B  }
0xa4: {  	_ =	swait.ge [sflag:s24], $0x1  }
0xa5: {  	[sflag:s24] =	ssyncset.done $0x0  }
0xa6: {  	s25 =	simm.s32 $0x1B8E;
	[sflag:s24] =	ssyncadd.s32 $0xFFFFFFFF  }
0xa7: {  	s26 =	simm.s32 $execute0_lowered;
	[smem:$0x3FD2] =	sst s25  }
0xa8: {  	s6 =	sshll.u32 s26, $0x1;
	_ =	strace $0x80000046;
	[dreg:$0x1] =	wrdreg $0xFFFFFFFF  }
0xa9: {  	s28 =	simm.s32 $_size_execute0_lowered;
	s5 =	sadd.s32 s5, s6;
	[dreg:$0x0] =	wrdreg $0x0  }
0xaa: {  	s6 =	sshll.u32 s28, $0x1;
	[dreg:$0x2] =	wrdreg s5  }
0xab: {  	[dreg:$0x3] =	wrdreg s6  }
0xac: {  	[dreg:$0x4] =	wrdreg $0xC0  }
0xad: {  	_ =	task [dreg:s9], $0x5FFFF  }
0xae: {  	[dreg:$0x1] =	wrdreg $0xFFFFFFFF  }
0xaf: {  	[dreg:$0x0] =	wrdreg $0x60  }
0xb0: {  	[dreg:$0x2] =	wrdreg s2  }
0xb1: {  	[dreg:$0x3] =	wrdreg s19  }
0xb2: {  	[dreg:$0x4] =	wrdreg s4  }
0xb3: {  	[dreg:$0x5] =	wrdreg $0x9  }
0xb4: {  	_ =	task.clear_ibuf [dreg:s9], $0x6FFFF;
	_ =	strace $0x90000046  }
0xb5: {  	s29 =	simm.s32 $0x9;
	_ =	strace $0x80000048  }
0xb6: {  	_ =	swait.ge [sflag:s29], $0x1  }
0xb7: {  	[sflag:s29] =	ssyncadd.s32 $0xFFFFFFFF  }
0xb8: {  	_ =	strace $0x90000048  }
0xb9: {  	_ =	sfence  }
0xba: {  	s30 =	sld [smem:$0x0];
	_ =	sdelay $0x2  }
0xbb: {  	s31 =	sshll.u32 s1, $0xD;
	s1 =	sshrl.u32 s1, $0x2  }
0xbc: {  	s3 =	sand.u32 $0x4000, s31;
	s1 =	sadd.s32 s1, s30  }
0xbd: {  	s0 =	sor.u32 s3, s0;
	s1 =	sshll.u32 s1, $0x11  }
0xbe: {  	s0 =	sor.u32 s1, s0  }
0xbf: {  	s0 =	sadd.s32 $0x8F2B, s0  }
0xc0: {  	[sflag:s0] =	ssyncadd.remote.s32 $0x1  }
0xc1: {  	_ =	sfence.sel $0xFFFF  }
0xc2: {  	[dreg:$0x0] =	wrdreg $0xFFFFFFFF;
	(pc) =	sbr.abs _section_cstart, $3  }
0xc3: {  	[dreg:$0x1] =	wrdreg $0xFFFFFFFF  }
0xc4: {  	_ =	task.clear_ibuf [dreg:s9], $0x2FFFF;
	_ =	strace $0x9FFFFFFF  }
0xc5: {  	(tm) =	ssettm $0x7FFFFFFF  }
tec
execute0_lowered:
.L_overlay_start_1:
0x0: {  	(tag) =	ssettag $0x1  }
0x1: {  	s0 =	stileid.u32  }
0x2: {  	s1 =	srdreg.scid;
	s2 =	sshll.u32 s0, $0x1  }
0x3: {  	s6 =	sand.u32 $0x1, s1;
	s19 =	sand.u32 $0x2, s2  }
0x4: {  	s20 =	sshll.u32 s0, $0x5;
	s7 =	sor.u32 s6, s19  }
0x5: {  	v0 =	vlaneseq.u32;
	s1 =	sand.u32 $0x1C0, s20;
	s21 =	sshll.u32 s7, $0x7  }
0x6: {  	v6 =	vmul.u32 $0xFFFFFFFF, v0;
	s8 =	ssub.s32 s1, s21  }
0x7: {  	s2 =	sadd.s32 $0x23E, s8;
	s22 =	sadd.s32 $0x22E, s8;
	s23 =	sadd.s32 $0x21E, s8  }
0x8: {  	s24 =	sadd.s32 $0x20E, s8;
	s3 =	sadd.s32 $0x1FE, s8;
	s25 =	sadd.s32 $0x1EE, s8;
	v0 =	vadd.s32 s2, v6;
	v1 =	vadd.s32 s22, v6;
	v2 =	vadd.s32 s23, v6  }
0x9: {  	s10 =	sadd.s32 $0x1DE, s8;
	s26 =	sadd.s32 $0x1CE, s8;
	s28 =	sadd.s32 $0x1BE, s8;
	v3 =	vadd.s32 s24, v6;
	v4 =	vadd.s32 s3, v6;
	v5 =	vadd.s32 s25, v6  }
0xa: {  	s29 =	sadd.s32 $0x1AE, s8;
	s30 =	sadd.s32 $0x19E, s8;
	s31 =	sadd.s32 $0x18E, s8;
	v7 =	vadd.s32 s10, v6;
	v8 =	vadd.s32 s26, v6;
	v9 =	vadd.s32 s28, v6  }
0xb: {  	v10 =	vadd.s32 s29, v6;
	v11 =	vadd.s32 s30, v6;
	v12 =	vadd.s32 s31, v6  }
0xc: {  	vm0 =	vgt.s32 v0, $0x0;
	vm5 =	vgt.s32 v1, $0x0;
	vm6 =	vgt.s32 v2, $0x0  }
0xd: {  	vm7 =	vgt.s32 v3, $0x0;
	vm8 =	vgt.s32 v4, $0x0;
	vm9 =	vgt.s32 v5, $0x0  }
0xe: {  	s9 =	rddreg [dreg:$0x0];
	vm10 =	vgt.s32 v7, $0x0;
	vm11 =	vgt.s32 v8, $0x0;
	vm12 =	vgt.s32 v9, $0x0  }
0xf: {  	s4 =	rddreg [dreg:$0x2];
	vm13 =	vgt.s32 v10, $0x0;
	vm14 =	vgt.s32 v11, $0x0;
	vm15 =	vgt.s32 v12, $0x0  }
0x10: {  	s5 =	simm.s32 $0x0;
	s13 =	simm.s32 $0x4100;
	s14 =	simm.s32 $0x1;
	v0 =	vnsel vm0, $0x0, v0;
	v1 =	vnsel vm5, $0x0, v1;
	v2 =	vnsel vm6, $0x0, v2  }
0x11: {  	s15 =	simm.s32 $0x2;
	s16 =	simm.s32 $0x4000;
	s17 =	simm.s32 $0x10000;
	v3 =	vnsel vm7, $0x0, v3;
	v4 =	vnsel vm8, $0x0, v4;
	v5 =	vnsel vm9, $0x0, v5  }
0x12: {  	s18 =	simm.s32 $0xA100;
	[smem:$0x7FF] =	sst s5;
	s6 =	ssub.s32 $0x2, s6;
	v7 =	vnsel vm10, $0x0, v7;
	v8 =	vnsel vm11, $0x0, v8;
	v9 =	vnsel vm12, $0x0, v9  }
0x13: {  	s20 =	simm.s32 $0x0;
	s19 =	simm.s32 $0x12100;
	s11 =	sshrl.u32 s6, $0x1;
	v10 =	vnsel vm13, $0x0, v10;
	v11 =	vnsel vm14, $0x0, v11;
	v12 =	vnsel vm15, $0x0, v12  }
0x14: {  	s12 =	sshll.u32 s7, $0xB;
	s7 =	sshll.u32 s7, $0xE;
	s11 =	ssub.s32 s6, s11;
	v0 =	vmin.u32 v0, $0x3FE;
	v1 =	vmin.u32 v1, $0x3FE;
	v2 =	vmin.u32 v2, $0x3FE  }
0x15: {  	s6 =	sadd.s32 s9, s12;
	s9 =	simm.s32 $0x6100;
	s12 =	simm.s32 $0x40;
	v3 =	vmin.u32 v3, $0x3FE;
	v4 =	vmin.u32 v4, $0x3FE;
	v5 =	vmin.u32 v5, $0x3FE  }
0x16: {  	s8 =	smax.u32 s11, $0x1;
	s11 =	simm.s32 $0x100;
	s2 =	rddreg [dreg:$0x1];
	v6 =	vmin.u32 v7, $0x3FE;
	v7 =	vmin.u32 v8, $0x3FE;
	v8 =	vmin.u32 v9, $0x3FE  }
0x17: {  	s3 =	rddreg [dreg:$0x3];
	_ =	strace $0x80000047;
	s10 =	simm.s32 $0x80;
	v9 =	vmin.u32 v10, $0x3FE;
	v10 =	vmin.u32 v11, $0x3FE;
	v11 =	vmin.u32 v12, $0x3FE  }
.LBB2_1:
0x18: {  	[tilespmem:s9], [sflag:$0x1] =	stream.linear.gather [hbm4b:s6+s5], $0x4000, $0x38;
	[tilespmem:$0x1A100] =	vst v63  }
0x19: {  	[tilespmem:$0x0] =	vst v0  }
0x1a: {  	[tilespmem:$0x10] =	vst v1  }
0x1b: {  	[tilespmem:$0x20] =	vst v2  }
0x1c: {  	[tilespmem:$0x30] =	vst v3  }
0x1d: {  	[tilespmem:$0x40] =	vst v4  }
0x1e: {  	[tilespmem:$0x50] =	vst v5  }
0x1f: {  	[tilespmem:$0x60] =	vst v6  }
0x20: {  	[tilespmem:$0x70] =	vst v7  }
0x21: {  	[tilespmem:$0x80] =	vst v8  }
0x22: {  	[tilespmem:$0x90] =	vst v9  }
0x23: {  	[tilespmem:$0xA0] =	vst v10  }
0x24: {  	[tilespmem:$0xB0] =	vst v11  }
0x25: {  	[tilespmem:s11], [sflag:$0x2] =	stream.indirect.gather [hbm4b:s2+s10], $0x80, s5, s10, $0xb8;
	[tilespmem:$0x1A100] =	vst v63  }
0x26: {  	_ = 	snop  }
0x27: {  	[tilespmem:s13], [sflag:$0x1] =	stream.indirect.gather [hbm4b:s2+s12], $0x80, s10, s12, $0xb8;
	[tilespmem:$0x1A100] =	vst v63  }
0x28: {  	_ =	swait.ge [sflag:s14], $0x4000  }
0x29: {  	[sflag:s14] =	ssyncset.done $0x0  }
0x2a: {  	[sflag:s14] =	ssyncadd.s32 $0xFFFFC000  }
0x2b: {  	_ =	swait.ge [sflag:s15], $0x4000  }
0x2c: {  	[sflag:s15] =	ssyncset.done $0x0  }
0x2d: {  	[sflag:s15] =	ssyncadd.s32 $0xFFFFC000  }
0x2e: {  	_ =	swait.ge [sflag:s14], $0x2000  }
0x2f: {  	s21 =	simm.s32 $0x2080;
	[sflag:s14] =	ssyncset.done $0x0  }
0x30: {  	s22 =	simm.s32 $0x1F80;
	s23 =	simm.s32 $0x0;
	[sflag:s14] =	ssyncadd.s32 $0xFFFFE000  }
.LBB2_2:
0x31: {  	p0 =	seq.s32 s23, $0x0  }
0x32: {  	s25 =	simm.s32 @!p0 $0x1  }
0x33: {  	_ =	swait.ge @!p0 [sflag:s25], $0x8000  }
0x34: {  	s24 =	sshll.u32 s23, $0x9;
	[sflag:s25] =	ssyncset.done @!p0 $0x0  }
0x35: {  	s30 =	ssub.s32 $0x2000, s24;
	[sflag:s25] =	ssyncadd.s32 @!p0 $0xFFFF8000  }
0x36: {  	s31 =	ssub.s32 $0x2010, s24;
	v26 =	vld [tilespmem:s30+$0x0]  }
0x37: {  	s26 =	ssub.s32 $0x2020, s24;
	v27 =	vld [tilespmem:s31+$0x0]  }
0x38: {  	v28 =	vld [tilespmem:s26+$0x0];
	s30 =	ssub.s32 $0x2030, s24  }
0x39: {  	s31 =	ssub.s32 $0x2040, s24;
	v12 =	vld [tilespmem:s30+$0x0]  }
0x3a: {  	s26 =	ssub.s32 $0x2050, s24;
	v13 =	vld [tilespmem:s31+$0x0]  }
0x3b: {  	v14 =	vld [tilespmem:s26+$0x0];
	s30 =	ssub.s32 $0x2060, s24  }
0x3c: {  	s31 =	ssub.s32 $0x2070, s24;
	v16 =	vld [tilespmem:s30+$0x0]  }
0x3d: {  	s26 =	simm.s32 $0x0;
	v17 =	vld [tilespmem:s31+$0x0]  }
0x3e: {  	v29 =	vld [tilespmem:s26+$0x6100]  }
0x3f: {  	v23 =	vld [tilespmem:s26+$0x6180]  }
0x40: {  	v32 =	vld [tilespmem:s26+$0x6110]  }
0x41: {  	v30 =	vld [tilespmem:s26+$0x6190]  }
0x42: {  	v20 =	vmov s21;
	v33 =	vld [tilespmem:s26+$0x6120]  }
0x43: {  	v35 =	vld [tilespmem:s26+$0x61A0]  }
0x44: {  	v15 =	vld [tilespmem:s26+$0x6130]  }
0x45: {  	v18 =	vld [tilespmem:s26+$0x6150]  }
0x46: {  	v48 =	vld [tilespmem:s26+$0x61F0]  }
0x47: {  	v40 =	vld.idx.msk [tilespmem:v20+s26+$0x0 ss:$0x1], $0xffff  }
0x48: {  	v41 =	vld.idx.msk [tilespmem:v20+s26+$0x10 ss:$0x1], $0xffff  }
0x49: {  	v43 =	vld.idx.msk [tilespmem:v20+s26+$0x20 ss:$0x1], $0xffff  }
0x4a: {  	v44 =	vld.idx.msk [tilespmem:v20+s26+$0x30 ss:$0x1], $0xffff  }
0x4b: {  	v49 =	vld.idx.msk [tilespmem:v20+s26+$0x40 ss:$0x1], $0xffff  }
0x4c: {  	v50 =	vld.idx.msk [tilespmem:v20+s26+$0x50 ss:$0x1], $0xffff  }
0x4d: {  	v51 =	vld.idx.msk [tilespmem:v20+s26+$0x60 ss:$0x1], $0xffff  }
0x4e: {  	v52 =	vld.idx.msk [tilespmem:v20+s26+$0x70 ss:$0x1], $0xffff  }
0x4f: {  	v34 =	vld.idx.msk [tilespmem:v20+s26+$0x80 ss:$0x1], $0xffff  }
0x50: {  	v36 =	vld.idx.msk [tilespmem:v20+s26+$0x90 ss:$0x1], $0xffff  }
0x51: {  	v38 =	vld.idx.msk [tilespmem:v20+s26+$0xA0 ss:$0x1], $0xffff  }
0x52: {  	v24 =	vld.idx.msk [tilespmem:v20+s26+$0xB0 ss:$0x1], $0xffff  }
0x53: {  	v25 =	vld.idx.msk [tilespmem:v20+s26+$0xC0 ss:$0x1], $0xffff  }
0x54: {  	v31 =	vld.idx.msk [tilespmem:v20+s26+$0xD0 ss:$0x1], $0xffff;
	v53 =	vadd.f32 v48, v52  }
0x55: {  	v37 =	vld.idx.msk [tilespmem:v20+s26+$0xE0 ss:$0x1], $0xffff;
	v54 =	vadd.f32 v29, v40  }
0x56: {  	v42 =	vld.idx.msk [tilespmem:v20+s26+$0xF0 ss:$0x1], $0xffff;
	v55 =	vadd.f32 v23, v34;
	[tilespmem:s26+$0xE1F0] =	vst v53  }
0x57: {  	v46 =	vld [tilespmem:s26+$0x61D0];
	v23 =	vadd.f32 v23, v40;
	[tilespmem:s26+$0xA100] =	vst v54  }
0x58: {  	v47 =	vld [tilespmem:s26+$0x61E0];
	v59 =	vadd.f32 v32, v41;
	[tilespmem:s26+$0xA180] =	vst v55  }
0x59: {  	v19 =	vld [tilespmem:s26+$0x6140];
	v60 =	vadd.f32 v30, v36;
	[tilespmem:s26+$0xE180] =	vst v23  }
0x5a: {  	v21 =	vld [tilespmem:s26+$0x6160];
	v61 =	vadd.f32 v35, v43;
	v35 =	vadd.f32 v35, v38;
	[tilespmem:s26+$0xA110] =	vst v59  }
0x5b: {  	v22 =	vld [tilespmem:s26+$0x6170];
	v62 =	vadd.f32 v15, v44;
	[tilespmem:s26+$0xA190] =	vst v60  }
0x5c: {  	v39 =	vld [tilespmem:s26+$0x61B0];
	v63 =	vadd.f32 v18, v50;
	v50 =	vadd.f32 v46, v50;
	[tilespmem:s26+$0xA1A0] =	vst v35  }
0x5d: {  	v45 =	vld [tilespmem:s26+$0x61C0];
	v40 =	vadd.f32 v47, v51;
	v26 =	vadd.f32 v29, v26;
	[tilespmem:s26+$0xE1A0] =	vst v61  }
0x5e: {  	v27 =	vadd.f32 v32, v27;
	v23 =	vadd.f32 v30, v41;
	[tilespmem:s26+$0xA130] =	vst v62  }
0x5f: {  	v30 =	vadd.f32 v33, v43;
	v41 =	vadd.f32 v19, v49;
	[tilespmem:s26+$0xA150] =	vst v63  }
0x60: {  	v35 =	vadd.f32 v21, v51;
	v43 =	vadd.f32 v22, v52;
	[tilespmem:s26+$0xE100] =	vst v26  }
0x61: {  	v26 =	vadd.f32 v33, v28;
	[tilespmem:s26+$0xE190] =	vst v23;
	v23 =	vadd.f32 v39, v44  }
0x62: {  	[tilespmem:s26+$0xA120] =	vst v30;
	v44 =	vadd.f32 v45, v49;
	v30 =	vadd.f32 v39, v24  }
0x63: {  	[tilespmem:s26+$0xE1D0] =	vst v50;
	v39 =	vadd.f32 v45, v25;
	v45 =	vadd.f32 v46, v31  }
0x64: {  	s28 =	simm.s32 $0x0;
	s29 =	simm.s32 $0x400;
	s25 =	sshll.u32 s23, $0x2;
	[tilespmem:s26+$0xE110] =	vst v27;
	v46 =	vadd.f32 v47, v37;
	v47 =	vadd.f32 v48, v42  }
.LBB2_3:
0x65: {  	s30 =	sshra.s32 s29, $0x2;
	[tilespmem:s26+$0xE120] =	vst v26;
	v28 =	vmov v34;
	v27 =	vmov v36;
	v26 =	vmov v38  }
0x66: {  	v29 =	vld [tilespmem:s30+$0x6100];
	[tilespmem:s26+$0xE1C0] =	vst v44  }
0x67: {  	v22 =	vadd.f32 v22, v17;
	v17 =	vmov v42;
	v48 =	vld [tilespmem:s30+$0x6180];
	[tilespmem:s26+$0xA140] =	vst v41  }
0x68: {  	v32 =	vld [tilespmem:s30+$0x6110];
	[tilespmem:s26+$0xA1F0] =	vst v47  }
0x69: {  	v47 =	vld [tilespmem:s30+$0x6190];
	[tilespmem:s26+$0xE170] =	vst v22  }
0x6a: {  	v33 =	vld [tilespmem:s30+$0x6120];
	[tilespmem:s26+$0xA170] =	vst v43  }
0x6b: {  	v21 =	vadd.f32 v21, v16;
	v16 =	vmov v37;
	v49 =	vld [tilespmem:s30+$0x61A0];
	[tilespmem:s26+$0xE1E0] =	vst v40  }
0x6c: {  	v22 =	vld [tilespmem:s30+$0x6130];
	[tilespmem:s26+$0xA1E0] =	vst v46  }
0x6d: {  	v46 =	vld [tilespmem:s30+$0x61B0];
	[tilespmem:s26+$0xE160] =	vst v21  }
0x6e: {  	v21 =	vadd.f32 v18, v14;
	v14 =	vmov v31;
	v34 =	vld [tilespmem:s30+$0x6140];
	[tilespmem:s26+$0xA160] =	vst v35  }
0x6f: {  	v50 =	vld [tilespmem:s30+$0x61C0];
	[tilespmem:s26+$0xA1D0] =	vst v45  }
0x70: {  	v31 =	vadd.f32 v19, v13;
	v13 =	vmov v25;
	v18 =	vld [tilespmem:s30+$0x6150];
	[tilespmem:s26+$0xE150] =	vst v21  }
0x71: {  	v45 =	vld [tilespmem:s30+$0x61D0];
	[tilespmem:s26+$0xA1C0] =	vst v39  }
0x72: {  	v21 =	vld [tilespmem:s30+$0x6160];
	[tilespmem:s26+$0xE140] =	vst v31  }
0x73: {  	v25 =	vadd.f32 v15, v12;
	v12 =	vmovc v24;
	v15 =	vmov v22;
	v51 =	vld [tilespmem:s30+$0x61E0];
	[tilespmem:s26+$0xE1B0] =	vst v23;
	v19 =	vmov v34  }
0x74: {  	v22 =	vld [tilespmem:s30+$0x6170];
	[tilespmem:s26+$0xA1B0] =	vst v30  }
0x75: {  	v52 =	vld [tilespmem:s30+$0x61F0];
	[tilespmem:s26+$0xE130] =	vst v25;
	s26 =	smov.u32 s30  }
0x76: {  	v23 =	vld.idx.msk [tilespmem:v20+s26+$0x0 ss:$0x1], $0xffff  }
0x77: {  	v24 =	vld.idx.msk [tilespmem:v20+s26+$0x10 ss:$0x1], $0xffff  }
0x78: {  	v25 =	vld.idx.msk [tilespmem:v20+s26+$0x20 ss:$0x1], $0xffff  }
0x79: {  	v30 =	vld.idx.msk [tilespmem:v20+s26+$0x30 ss:$0x1], $0xffff  }
0x7a: {  	v31 =	vld.idx.msk [tilespmem:v20+s26+$0x40 ss:$0x1], $0xffff  }
0x7b: {  	v35 =	vld.idx.msk [tilespmem:v20+s26+$0x50 ss:$0x1], $0xffff  }
0x7c: {  	s28 =	sadd.s32 $0x2, s28;
	v39 =	vadd.f32 v29, v23;
	v53 =	vadd.f32 v48, v23;
	v37 =	vld.idx.msk [tilespmem:v20+s26+$0x60 ss:$0x1], $0xffff  }
0x7d: {  	p1 =	slt.u32 s28, $0x7E;
	v54 =	vadd.f32 v32, v24;
	v55 =	vadd.f32 v47, v24;
	v42 =	vld.idx.msk [tilespmem:v20+s26+$0x70 ss:$0x1], $0xffff  }
0x7e: {  	v56 =	vadd.f32 v33, v25;
	v57 =	vadd.f32 v49, v25;
	v34 =	vld.idx.msk [tilespmem:v20+s26+$0x80 ss:$0x1], $0xffff  }
0x7f: {  	v58 =	vadd.f32 v15, v30;
	v23 =	vadd.f32 v46, v30;
	v36 =	vld.idx.msk [tilespmem:v20+s26+$0x90 ss:$0x1], $0xffff  }
0x80: {  	v41 =	vadd.f32 v19, v31;
	v44 =	vadd.f32 v50, v31;
	v38 =	vld.idx.msk [tilespmem:v20+s26+$0xA0 ss:$0x1], $0xffff  }
0x81: {  	v59 =	vadd.f32 v18, v35;
	v60 =	vadd.f32 v45, v35;
	v24 =	vld.idx.msk [tilespmem:v20+s26+$0xB0 ss:$0x1], $0xffff  }
0x82: {  	v35 =	vadd.f32 v21, v37;
	v40 =	vadd.f32 v51, v37;
	v25 =	vld.idx.msk [tilespmem:v20+s26+$0xC0 ss:$0x1], $0xffff  }
0x83: {  	v43 =	vadd.f32 v22, v42;
	v30 =	vadd.f32 v52, v42;
	v31 =	vld.idx.msk [tilespmem:v20+s26+$0xD0 ss:$0x1], $0xffff  }
0x84: {  	v48 =	vadd.f32 v48, v34;
	v37 =	vld.idx.msk [tilespmem:v20+s26+$0xE0 ss:$0x1], $0xffff  }
0x85: {  	v47 =	vadd.f32 v47, v36;
	v42 =	vld.idx.msk [tilespmem:v20+s26+$0xF0 ss:$0x1], $0xffff;
	[tilespmem:s26+$0xE1F0] =	vst v30  }
0x86: {  	v49 =	vadd.f32 v49, v38;
	[tilespmem:s26+$0xA100] =	vst v39  }
0x87: {  	v30 =	vadd.f32 v46, v24;
	[tilespmem:s26+$0xA180] =	vst v48  }
0x88: {  	v39 =	vadd.f32 v50, v25;
	[tilespmem:s26+$0xE180] =	vst v53  }
0x89: {  	v45 =	vadd.f32 v45, v31;
	[tilespmem:s26+$0xA110] =	vst v54  }
0x8a: {  	v46 =	vadd.f32 v51, v37;
	[tilespmem:s26+$0xA190] =	vst v47  }
0x8b: {  	v47 =	vadd.f32 v52, v42;
	[tilespmem:s26+$0xE190] =	vst v55  }
0x8c: {  	[tilespmem:s26+$0xA120] =	vst v56  }
0x8d: {  	[tilespmem:s26+$0xA1A0] =	vst v49  }
0x8e: {  	[tilespmem:s26+$0xE1A0] =	vst v57  }
.Ltmp0:
0x8f: {  	[tilespmem:s26+$0xA130] =	vst v58;
	(pc) =	sbr.rel @p1 .LBB2_3-.Ltmp0, $4  }
0x90: {  	v28 =	vadd.f32 v29, v28;
	[tilespmem:s26+$0xA150] =	vst v59  }
0x91: {  	v27 =	vadd.f32 v32, v27;
	[tilespmem:s26+$0xE1D0] =	vst v60  }
0x92: {  	v26 =	vadd.f32 v33, v26;
	[tilespmem:s26+$0xE100] =	vst v28  }
0x93: {  	s29 =	sadd.s32 $0x400, s29;
	[tilespmem:s26+$0xE110] =	vst v27  }
0x94: {  	[tilespmem:s26+$0xE120] =	vst v26  }
0x95: {  	[tilespmem:s26+$0xE1C0] =	vst v44  }
0x96: {  	[tilespmem:s26+$0xA140] =	vst v41  }
0x97: {  	[tilespmem:s26+$0xA1F0] =	vst v47  }
0x98: {  	[tilespmem:s26+$0xA170] =	vst v43  }
0x99: {  	[tilespmem:s26+$0xE1E0] =	vst v40  }
0x9a: {  	[tilespmem:s26+$0xA1E0] =	vst v46  }
0x9b: {  	[tilespmem:s26+$0xA160] =	vst v35  }
0x9c: {  	[tilespmem:s26+$0xA1D0] =	vst v45  }
0x9d: {  	[tilespmem:s26+$0xA1C0] =	vst v39  }
0x9e: {  	v17 =	vadd.f32 v22, v17;
	[tilespmem:s26+$0xE1B0] =	vst v23  }
0x9f: {  	v16 =	vadd.f32 v21, v16;
	[tilespmem:s26+$0xA1B0] =	vst v30  }
0xa0: {  	v14 =	vadd.f32 v18, v14;
	s28 =	sadd.s32 s1, s25;
	[tilespmem:s26+$0xE170] =	vst v17  }
0xa1: {  	v13 =	vadd.f32 v19, v13;
	s28 =	sshll.u32 s28, $0x10;
	[tilespmem:s26+$0xE160] =	vst v16  }
0xa2: {  	v12 =	vadd.f32 v15, v12;
	[tilespmem:s26+$0xE150] =	vst v14;
	s28 =	sor.u32 s7, s28  }
0xa3: {  	[tilespmem:s26+$0xE140] =	vst v13;
	s28 =	sshrl.u32 s28, $0x3  }
0xa4: {  	[tilespmem:s26+$0xE130] =	vst v12;
	s26 =	simm.s32 @!p0 $0x2;
	s29 =	sadd.s32 s4, s28  }
0xa5: {  	[hbm4b:s29+s16] =	stream.strided.scatter [tilespmem:s18], [sflag:$0x1], $0x8000, s17, s16, $0x38;
	[tilespmem:$0x1A100] =	vst v63  }
0xa6: {  	_ =	swait.ge @!p0 [sflag:s26], $0x8000  }
0xa7: {  	[sflag:s26] =	ssyncset.done @!p0 $0x0  }
0xa8: {  	s30 =	ssub.s32 $0x1F00, s24;
	[sflag:s26] =	ssyncadd.s32 @!p0 $0xFFFF8000  }
0xa9: {  	s31 =	ssub.s32 $0x1F10, s24;
	v26 =	vld [tilespmem:s30+$0x0]  }
0xaa: {  	s29 =	ssub.s32 $0x1F20, s24;
	v27 =	vld [tilespmem:s31+$0x0]  }
0xab: {  	v28 =	vld [tilespmem:s29+$0x0];
	s30 =	ssub.s32 $0x1F30, s24  }
0xac: {  	s31 =	ssub.s32 $0x1F40, s24;
	v12 =	vld [tilespmem:s30+$0x0]  }
0xad: {  	s29 =	ssub.s32 $0x1F50, s24;
	v13 =	vld [tilespmem:s31+$0x0]  }
0xae: {  	v14 =	vld [tilespmem:s29+$0x0];
	s30 =	ssub.s32 $0x1F60, s24  }
0xaf: {  	s31 =	ssub.s32 $0x1F70, s24;
	v16 =	vld [tilespmem:s30+$0x0]  }
0xb0: {  	s24 =	simm.s32 $0x0;
	v17 =	vld [tilespmem:s31+$0x0]  }
0xb1: {  	v29 =	vld [tilespmem:s24+$0x6100]  }
0xb2: {  	v23 =	vld [tilespmem:s24+$0x6180]  }
0xb3: {  	v32 =	vld [tilespmem:s24+$0x6110]  }
0xb4: {  	v30 =	vld [tilespmem:s24+$0x6190]  }
0xb5: {  	v20 =	vmov s22;
	v33 =	vld [tilespmem:s24+$0x6120]  }
0xb6: {  	v35 =	vld [tilespmem:s24+$0x61A0]  }
0xb7: {  	v15 =	vld [tilespmem:s24+$0x6130]  }
0xb8: {  	v19 =	vld [tilespmem:s24+$0x6140]  }
0xb9: {  	v48 =	vld [tilespmem:s24+$0x61F0]  }
0xba: {  	v62 =	vld.idx.msk [tilespmem:v20+s24+$0x0 ss:$0x1], $0xffff  }
0xbb: {  	v63 =	vld.idx.msk [tilespmem:v20+s24+$0x10 ss:$0x1], $0xffff  }
0xbc: {  	v57 =	vld.idx.msk [tilespmem:v20+s24+$0x20 ss:$0x1], $0xffff  }
0xbd: {  	v58 =	vld.idx.msk [tilespmem:v20+s24+$0x30 ss:$0x1], $0xffff  }
0xbe: {  	v49 =	vld.idx.msk [tilespmem:v20+s24+$0x40 ss:$0x1], $0xffff  }
0xbf: {  	v50 =	vld.idx.msk [tilespmem:v20+s24+$0x50 ss:$0x1], $0xffff  }
0xc0: {  	v51 =	vld.idx.msk [tilespmem:v20+s24+$0x60 ss:$0x1], $0xffff  }
0xc1: {  	v52 =	vld.idx.msk [tilespmem:v20+s24+$0x70 ss:$0x1], $0xffff  }
0xc2: {  	v34 =	vld.idx.msk [tilespmem:v20+s24+$0x80 ss:$0x1], $0xffff  }
0xc3: {  	v36 =	vld.idx.msk [tilespmem:v20+s24+$0x90 ss:$0x1], $0xffff  }
0xc4: {  	v38 =	vld.idx.msk [tilespmem:v20+s24+$0xA0 ss:$0x1], $0xffff  }
0xc5: {  	v24 =	vld.idx.msk [tilespmem:v20+s24+$0xB0 ss:$0x1], $0xffff  }
0xc6: {  	v25 =	vld.idx.msk [tilespmem:v20+s24+$0xC0 ss:$0x1], $0xffff  }
0xc7: {  	v31 =	vld.idx.msk [tilespmem:v20+s24+$0xD0 ss:$0x1], $0xffff;
	v53 =	vadd.f32 v48, v52  }
0xc8: {  	v37 =	vld.idx.msk [tilespmem:v20+s24+$0xE0 ss:$0x1], $0xffff;
	v54 =	vadd.f32 v29, v62  }
0xc9: {  	v42 =	vld.idx.msk [tilespmem:v20+s24+$0xF0 ss:$0x1], $0xffff;
	v55 =	vadd.f32 v23, v34;
	[tilespmem:s24+$0x161F0] =	vst v53  }
0xca: {  	v45 =	vld [tilespmem:s24+$0x61C0];
	v23 =	vadd.f32 v23, v62;
	[tilespmem:s24+$0x12100] =	vst v54  }
0xcb: {  	v47 =	vld [tilespmem:s24+$0x61E0];
	v59 =	vadd.f32 v32, v63;
	[tilespmem:s24+$0x12180] =	vst v55  }
0xcc: {  	v22 =	vld [tilespmem:s24+$0x6170];
	v60 =	vadd.f32 v30, v36;
	[tilespmem:s24+$0x16180] =	vst v23  }
0xcd: {  	v18 =	vld [tilespmem:s24+$0x6150];
	v61 =	vadd.f32 v35, v57;
	v35 =	vadd.f32 v35, v38;
	[tilespmem:s24+$0x12110] =	vst v59  }
0xce: {  	v46 =	vld [tilespmem:s24+$0x61D0];
	v62 =	vadd.f32 v15, v58;
	[tilespmem:s24+$0x12190] =	vst v60  }
0xcf: {  	v21 =	vld [tilespmem:s24+$0x6160];
	v41 =	vadd.f32 v19, v49;
	v44 =	vadd.f32 v45, v49;
	[tilespmem:s24+$0x121A0] =	vst v35  }
0xd0: {  	v39 =	vld [tilespmem:s24+$0x61B0];
	v40 =	vadd.f32 v47, v51;
	v26 =	vadd.f32 v29, v26;
	[tilespmem:s24+$0x161A0] =	vst v61  }
0xd1: {  	v43 =	vadd.f32 v22, v52;
	v27 =	vadd.f32 v32, v27;
	[tilespmem:s24+$0x12130] =	vst v62  }
0xd2: {  	v23 =	vadd.f32 v30, v63;
	v30 =	vadd.f32 v33, v57;
	[tilespmem:s24+$0x16100] =	vst v26  }
0xd3: {  	v63 =	vadd.f32 v18, v50;
	v50 =	vadd.f32 v46, v50;
	[tilespmem:s24+$0x16110] =	vst v27  }
0xd4: {  	v35 =	vadd.f32 v21, v51;
	v26 =	vadd.f32 v33, v28;
	[tilespmem:s24+$0x16190] =	vst v23  }
0xd5: {  	v23 =	vadd.f32 v39, v58;
	[tilespmem:s24+$0x12120] =	vst v30;
	v30 =	vadd.f32 v39, v24  }
0xd6: {  	[tilespmem:s24+$0x12150] =	vst v63;
	v39 =	vadd.f32 v45, v25;
	v45 =	vadd.f32 v46, v31  }
0xd7: {  	s25 =	sor.u32 $0x2, s25;
	s28 =	simm.s32 $0x400;
	s26 =	simm.s32 $0x0;
	[tilespmem:s24+$0x161D0] =	vst v50;
	v46 =	vadd.f32 v47, v37;
	v47 =	vadd.f32 v48, v42  }
.LBB2_5:
0xd8: {  	s29 =	sshra.s32 s28, $0x2;
	[tilespmem:s24+$0x16120] =	vst v26;
	v28 =	vmov v34;
	v27 =	vmov v36;
	v26 =	vmov v38  }
0xd9: {  	v29 =	vld [tilespmem:s29+$0x6100];
	[tilespmem:s24+$0x161C0] =	vst v44  }
0xda: {  	v22 =	vadd.f32 v22, v17;
	v17 =	vmov v42;
	v48 =	vld [tilespmem:s29+$0x6180];
	[tilespmem:s24+$0x12140] =	vst v41  }
0xdb: {  	v32 =	vld [tilespmem:s29+$0x6110];
	[tilespmem:s24+$0x121F0] =	vst v47  }
0xdc: {  	v47 =	vld [tilespmem:s29+$0x6190];
	[tilespmem:s24+$0x16170] =	vst v22  }
0xdd: {  	v33 =	vld [tilespmem:s29+$0x6120];
	[tilespmem:s24+$0x12170] =	vst v43  }
0xde: {  	v21 =	vadd.f32 v21, v16;
	v16 =	vmov v37;
	v49 =	vld [tilespmem:s29+$0x61A0];
	[tilespmem:s24+$0x161E0] =	vst v40  }
0xdf: {  	v22 =	vld [tilespmem:s29+$0x6130];
	[tilespmem:s24+$0x121E0] =	vst v46  }
0xe0: {  	v46 =	vld [tilespmem:s29+$0x61B0];
	[tilespmem:s24+$0x16160] =	vst v21  }
0xe1: {  	v21 =	vadd.f32 v18, v14;
	v14 =	vmov v31;
	v34 =	vld [tilespmem:s29+$0x6140];
	[tilespmem:s24+$0x12160] =	vst v35  }
0xe2: {  	v50 =	vld [tilespmem:s29+$0x61C0];
	[tilespmem:s24+$0x121D0] =	vst v45  }
0xe3: {  	v31 =	vadd.f32 v19, v13;
	v13 =	vmov v25;
	v18 =	vld [tilespmem:s29+$0x6150];
	[tilespmem:s24+$0x16150] =	vst v21  }
0xe4: {  	v45 =	vld [tilespmem:s29+$0x61D0];
	[tilespmem:s24+$0x121C0] =	vst v39  }
0xe5: {  	v21 =	vld [tilespmem:s29+$0x6160];
	[tilespmem:s24+$0x16140] =	vst v31  }
0xe6: {  	v25 =	vadd.f32 v15, v12;
	v12 =	vmovc v24;
	v15 =	vmov v22;
	v51 =	vld [tilespmem:s29+$0x61E0];
	[tilespmem:s24+$0x161B0] =	vst v23;
	v19 =	vmov v34  }
0xe7: {  	v22 =	vld [tilespmem:s29+$0x6170];
	[tilespmem:s24+$0x121B0] =	vst v30  }
0xe8: {  	v52 =	vld [tilespmem:s29+$0x61F0];
	[tilespmem:s24+$0x16130] =	vst v25;
	s24 =	smov.u32 s29  }
0xe9: {  	v23 =	vld.idx.msk [tilespmem:v20+s24+$0x0 ss:$0x1], $0xffff  }
0xea: {  	v24 =	vld.idx.msk [tilespmem:v20+s24+$0x10 ss:$0x1], $0xffff  }
0xeb: {  	v25 =	vld.idx.msk [tilespmem:v20+s24+$0x20 ss:$0x1], $0xffff  }
0xec: {  	v30 =	vld.idx.msk [tilespmem:v20+s24+$0x30 ss:$0x1], $0xffff  }
0xed: {  	v31 =	vld.idx.msk [tilespmem:v20+s24+$0x40 ss:$0x1], $0xffff  }
0xee: {  	v35 =	vld.idx.msk [tilespmem:v20+s24+$0x50 ss:$0x1], $0xffff  }
0xef: {  	s26 =	sadd.s32 $0x2, s26;
	v39 =	vadd.f32 v29, v23;
	v53 =	vadd.f32 v48, v23;
	v37 =	vld.idx.msk [tilespmem:v20+s24+$0x60 ss:$0x1], $0xffff  }
0xf0: {  	p0 =	slt.u32 s26, $0x7E;
	v54 =	vadd.f32 v32, v24;
	v55 =	vadd.f32 v47, v24;
	v42 =	vld.idx.msk [tilespmem:v20+s24+$0x70 ss:$0x1], $0xffff  }
0xf1: {  	v56 =	vadd.f32 v33, v25;
	v57 =	vadd.f32 v49, v25;
	v34 =	vld.idx.msk [tilespmem:v20+s24+$0x80 ss:$0x1], $0xffff  }
0xf2: {  	v58 =	vadd.f32 v15, v30;
	v23 =	vadd.f32 v46, v30;
	v36 =	vld.idx.msk [tilespmem:v20+s24+$0x90 ss:$0x1], $0xffff  }
0xf3: {  	v41 =	vadd.f32 v19, v31;
	v44 =	vadd.f32 v50, v31;
	v38 =	vld.idx.msk [tilespmem:v20+s24+$0xA0 ss:$0x1], $0xffff  }
0xf4: {  	v59 =	vadd.f32 v18, v35;
	v60 =	vadd.f32 v45, v35;
	v24 =	vld.idx.msk [tilespmem:v20+s24+$0xB0 ss:$0x1], $0xffff  }
0xf5: {  	v35 =	vadd.f32 v21, v37;
	v40 =	vadd.f32 v51, v37;
	v25 =	vld.idx.msk [tilespmem:v20+s24+$0xC0 ss:$0x1], $0xffff  }
0xf6: {  	v43 =	vadd.f32 v22, v42;
	v30 =	vadd.f32 v52, v42;
	v31 =	vld.idx.msk [tilespmem:v20+s24+$0xD0 ss:$0x1], $0xffff  }
0xf7: {  	v48 =	vadd.f32 v48, v34;
	v37 =	vld.idx.msk [tilespmem:v20+s24+$0xE0 ss:$0x1], $0xffff  }
0xf8: {  	v47 =	vadd.f32 v47, v36;
	v42 =	vld.idx.msk [tilespmem:v20+s24+$0xF0 ss:$0x1], $0xffff;
	[tilespmem:s24+$0x161F0] =	vst v30  }
0xf9: {  	v49 =	vadd.f32 v49, v38;
	[tilespmem:s24+$0x12100] =	vst v39  }
0xfa: {  	v30 =	vadd.f32 v46, v24;
	[tilespmem:s24+$0x12180] =	vst v48  }
0xfb: {  	v39 =	vadd.f32 v50, v25;
	[tilespmem:s24+$0x16180] =	vst v53  }
0xfc: {  	v45 =	vadd.f32 v45, v31;
	[tilespmem:s24+$0x12110] =	vst v54  }
0xfd: {  	v46 =	vadd.f32 v51, v37;
	[tilespmem:s24+$0x12190] =	vst v47  }
0xfe: {  	v47 =	vadd.f32 v52, v42;
	[tilespmem:s24+$0x16190] =	vst v55  }
0xff: {  	[tilespmem:s24+$0x12120] =	vst v56  }
0x100: {  	[tilespmem:s24+$0x121A0] =	vst v49  }
0x101: {  	[tilespmem:s24+$0x161A0] =	vst v57  }
.Ltmp1:
0x102: {  	[tilespmem:s24+$0x12130] =	vst v58;
	(pc) =	sbr.rel @p0 .LBB2_5-.Ltmp1, $4  }
0x103: {  	v28 =	vadd.f32 v29, v28;
	[tilespmem:s24+$0x12150] =	vst v59  }
0x104: {  	v27 =	vadd.f32 v32, v27;
	[tilespmem:s24+$0x161D0] =	vst v60  }
0x105: {  	v26 =	vadd.f32 v33, v26;
	[tilespmem:s24+$0x16100] =	vst v28  }
0x106: {  	s28 =	sadd.s32 $0x400, s28;
	[tilespmem:s24+$0x16110] =	vst v27  }
0x107: {  	[tilespmem:s24+$0x16120] =	vst v26  }
0x108: {  	[tilespmem:s24+$0x161C0] =	vst v44  }
0x109: {  	[tilespmem:s24+$0x12140] =	vst v41  }
0x10a: {  	[tilespmem:s24+$0x121F0] =	vst v47  }
0x10b: {  	[tilespmem:s24+$0x12170] =	vst v43  }
0x10c: {  	[tilespmem:s24+$0x161E0] =	vst v40  }
0x10d: {  	[tilespmem:s24+$0x121E0] =	vst v46  }
0x10e: {  	[tilespmem:s24+$0x12160] =	vst v35  }
0x10f: {  	[tilespmem:s24+$0x121D0] =	vst v45  }
0x110: {  	[tilespmem:s24+$0x121C0] =	vst v39  }
0x111: {  	v17 =	vadd.f32 v22, v17;
	[tilespmem:s24+$0x161B0] =	vst v23  }
0x112: {  	v16 =	vadd.f32 v21, v16;
	[tilespmem:s24+$0x121B0] =	vst v30;
	s23 =	sadd.s32 $0x1, s23  }
0x113: {  	v14 =	vadd.f32 v18, v14;
	s25 =	sadd.s32 s1, s25;
	p0 =	sne.s32 s23, $0x10;
	[tilespmem:s24+$0x16170] =	vst v17  }
.Ltmp2:
0x114: {  	v13 =	vadd.f32 v19, v13;
	s25 =	sshll.u32 s25, $0x10;
	[tilespmem:s24+$0x16160] =	vst v16;
	(pc) =	sbr.rel @p0 .LBB2_2-.Ltmp2, $4  }
0x115: {  	v12 =	vadd.f32 v15, v12;
	[tilespmem:s24+$0x16150] =	vst v14;
	s25 =	sor.u32 s7, s25  }
0x116: {  	[tilespmem:s24+$0x16140] =	vst v13;
	s25 =	sshrl.u32 s25, $0x3  }
0x117: {  	s21 =	sadd.s32 $0xFFFFFE00, s21;
	s22 =	sadd.s32 $0xFFFFFE00, s22;
	[tilespmem:s24+$0x16130] =	vst v12;
	s31 =	sadd.s32 s4, s25  }
0x118: {  	[hbm4b:s31+s16] =	stream.strided.scatter [tilespmem:s19], [sflag:$0x2], $0x8000, s17, s16, $0x38;
	[tilespmem:$0x1A100] =	vst v63  }
0x119: {  	s20 =	sadd.s32 $0x1, s20  }
0x11a: {  	_ =	swait.ge [sflag:s14], $0x8000;
	p0 =	sne.s32 s20, s8  }
.Ltmp3:
0x11b: {  	[sflag:s14] =	ssyncset.done $0x0;
	(pc) =	sbr.rel @p0 .LBB2_1-.Ltmp3, $4  }
0x11c: {  	[sflag:s14] =	ssyncadd.s32 $0xFFFF8000  }
0x11d: {  	_ =	swait.ge [sflag:s15], $0x8000  }
0x11e: {  	[sflag:s15] =	ssyncset.done $0x0  }
0x11f: {  	[sflag:s15] =	ssyncadd.s32 $0xFFFF8000  }
0x120: {  	_ =	sfence.sel $0x180000  }
0x121: {  	[bflag:$0x0] =	sbarrier.arrive $0xFFFF  }
0x122: {  	p0 =	sne.s32 s0, $0x0;
	_ =	strace $0x90000047  }
0x123: {  	s0 =	sadd.s32 @!p0 $0x100000, s3;
	[bflag:$0x2] =	sbarrier.arrive $0xFFFF  }
0x124: {  	[sflag:s0] =	ssyncadd.tile.s32 @!p0 $0x1;
	_ =	shalt  }
.Lfunc_end2:
_tile_overlayer_lowered:
.L_overlay_start_2:
0x125: {  	(tag) =	ssettag $0x2  }
0x126: {  	s0 =	rddreg [dreg:$0x0];
	s2 =	stileid.u32  }
0x127: {  	s1 =	rddreg [dreg:$0x1];
	p0 =	sne.s32 s2, $0x0  }
0x128: {  	s3 =	rddreg [dreg:$0x2];
	[bflag:$0x3] =	sbarrier.arrive $0xFFFF;
	s2 =	simm.s32 @!p0 $0x1C03  }
0x129: {  	[timem:s3], [sflag:s2] =	dma.local @!p0 [hbm:s0], s1  }
0x12a: {  	s0 =	simm.s32 @!p0 $0x3  }
0x12b: {  	_ =	swait.ge @!p0 [sflag:s0], s1  }
0x12c: {  	s1 =	ssub.s32 @!p0 $0x0, s1;
	[sflag:s0] =	ssyncset.done @!p0 $0x0  }
0x12d: {  	[sflag:s0] =	ssyncadd.s32 @!p0 s1  }
0x12e: {  	[bflag:$0x3] =	sbarrier.arrive $0xFFFF  }
0x12f: {  	_ =	shalt  }

</sc_bundles>
